<compile_context>
chip_gen: v7x
topology: tpu7x:2x2x1
jax: 0.10.2.dev20260603
libtpu: 0.0.44.dev20260713+nightly
codegen_flags: <defaults>
</compile_context>

<pallas_src>
import functools

import jax
import jax.numpy as jnp
from jax import lax
from jax.experimental import pallas as pl
from jax.experimental.pallas import tpu as pltpu
from jax.experimental.pallas import tpu_sc as plsc

LANES = 16


def _table_kernel(w_ref, b_ref, emb_ref, out_ref, *, inv_seq):
    t = lax.dot_general(
        w_ref[...], emb_ref[...],
        dimension_numbers=(((0,), (1,)), ((), ())),
        preferred_element_type=jnp.float32,
    )
    t = (t + b_ref[...].reshape(-1, 1)) * inv_seq
    u = lax.bitcast_convert_type(t, jnp.uint32) + jnp.uint32(0x8000)
    hi = u[0:1] & jnp.uint32(0xFFFF0000)
    lo = u[1:2] >> 16
    out_ref[...] = lax.bitcast_convert_type(hi | lo, jnp.int32)


def _build_table(emb, W, b, seq):
    vocab, d = emb.shape
    c = W.shape[1]
    blk = 25600
    grid = pl.cdiv(vocab, blk)
    vpad = grid * blk
    return pl.pallas_call(
        functools.partial(_table_kernel, inv_seq=1.0 / seq),
        grid=(grid,),
        in_specs=[
            pl.BlockSpec((d, c), lambda i: (0, 0)),
            pl.BlockSpec((c,), lambda i: (0,)),
            pl.BlockSpec((blk, d), lambda i: (i, 0)),
        ],
        out_specs=pl.BlockSpec((1, blk), lambda i: (0, i)),
        out_shape=jax.ShapeDtypeStruct((1, vpad), jnp.int32),
    )(W, b, emb)


def _make_sc_pool(vpad, batch, seq):
    nc, ns = 2, 16
    nw = nc * ns
    rows_per_tile = batch // nw
    groups = rows_per_tile // LANES

    mesh = plsc.VectorSubcoreMesh(
        core_axis_name="c", subcore_axis_name="s",
        num_cores=nc, num_subcores=ns)

    @functools.partial(
        pl.kernel,
        mesh=mesh,
        out_type=jax.ShapeDtypeStruct((batch * nc,), jnp.float32),
        scratch_types=[
            pltpu.VMEM((vpad,), jnp.int32),
            pltpu.VMEM_SHARED((vpad,), jnp.int32),
            pltpu.VMEM((LANES, seq), jnp.int32),
            pltpu.VMEM((LANES, seq), jnp.int32),
            pltpu.VMEM((rows_per_tile * 2,), jnp.float32),
            pltpu.SemaphoreType.DMA,
            pltpu.SemaphoreType.DMA,
            pltpu.SemaphoreType.DMA,
        ],
        compiler_params=pltpu.CompilerParams(
            use_tc_tiling_on_sc=False, needs_layout_passes=False),
    )
    def pool(tab_hbm, x_hbm, out_hbm, tab_v, tab_sh, x_v0, x_v1,
             out_v, tab_sem, sem0, sem1):
        cid = lax.axis_index("c")
        sid = lax.axis_index("s")
        wid = cid * ns + sid
        base_row = wid * rows_per_tile
        x_bufs = (x_v0, x_v1)
        x_sems = (sem0, sem1)

        def x_copy(g, buf):
            return pltpu.async_copy(
                x_hbm.at[pl.ds(base_row + g * LANES, LANES)],
                x_bufs[buf], x_sems[buf])

        @pl.when(sid == 0)
        def _():
            pltpu.sync_copy(tab_hbm.at[0], tab_sh)

        cps = [x_copy(0, 0), x_copy(1, 1)]
        plsc.subcore_barrier()
        pltpu.async_copy(tab_sh, tab_v, tab_sem).wait()

        himask = jnp.full((LANES,), -0x10000, jnp.int32)
        riota = lax.iota(jnp.int32, LANES)
        for g in range(groups):
            buf = g % 2
            cps[buf].wait()

            def step(i, accs):
                new = []
                for k in range(2):
                    col = jnp.full((LANES,), i * 2 + k, jnp.int32)
                    iv = plsc.load_gather(x_bufs[buf], [riota, col])
                    pv = plsc.load_gather(tab_v, [iv])
                    v0 = plsc.bitcast(pv & himask, jnp.float32)
                    v1 = plsc.bitcast(pv << 16, jnp.float32)
                    new.append((accs[k][0] + v0, accs[k][1] + v1))
                return tuple(new)

            zero = jnp.zeros((LANES,), jnp.float32)
            (a00, a01), (a10, a11) = lax.fori_loop(
                0, seq // 2, step, ((zero, zero), (zero, zero)), unroll=4)
            pos = riota * 2 + (g * 2 * LANES)
            plsc.store_scatter(out_v, [pos], a00 + a10)
            plsc.store_scatter(out_v, [pos + 1], a01 + a11)
            if g + 2 < groups:
                cps[buf] = x_copy(g + 2, buf)

        pltpu.sync_copy(
            out_v, out_hbm.at[pl.ds(base_row * 2, rows_per_tile * 2)])

    return pool


def kernel(x, emb, W, b):
    batch, seq = x.shape
    tab = _build_table(emb, W, b, seq)
    pool = _make_sc_pool(tab.shape[1], batch, seq)
    return pool(tab, x.astype(jnp.int32)).reshape(batch, 2)

# --- scband reference (transcript-rebuilt; emitter-appended) ---
"""Pipeline reference for scband-smsclassifier-87771951661880 (READ-ONLY COPY).

The authoritative reference and input builder live on the scoring server;
editing this copy changes nothing except your own understanding.
"""

import jax, jax.numpy as jnp
import numpy as np

VOCAB = 100000
EMBED_DIM = 128
NUM_CLASSES = 2
BATCH = 4096
SEQ = 200


def setup_inputs(seed: int = 0) -> dict:
    key = jax.random.key(seed)
    k_x, k_emb, k_w, k_b = jax.random.split(key, 4)
    x = jax.random.randint(k_x, (BATCH, SEQ), 0, VOCAB, dtype=jnp.int64 if jax.config.jax_enable_x64 else jnp.int32)
    emb = jax.random.normal(k_emb, (VOCAB, EMBED_DIM), dtype=jnp.float32)
    W = jax.random.normal(k_w, (EMBED_DIM, NUM_CLASSES), dtype=jnp.float32) * (1.0 / np.sqrt(EMBED_DIM))
    b = jnp.zeros((NUM_CLASSES,), dtype=jnp.float32)
    return {"x": x, "emb": emb, "W": W, "b": b}


def reference(x, emb, W, b):
    # nn.Embedding lookup -> gather rows
    embedded = jnp.take(emb, x, axis=0)          # [B, S, D]
    pooled = embedded.mean(axis=1)                # [B, D]
    logits = pooled @ W + b                       # [B, C]
    return logits

if __name__ == "__main__":
    import jax
    _d = setup_inputs()
    print(jax.jit(kernel)(*tuple(_d.values())))

</pallas_src>

<mosaic_0001>
#map = affine_map<(d0, d1) -> (0, 0)>
#map1 = affine_map<(d0, d1) -> (0)>
module attributes {stable_mosaic.version = 14 : i64} {
  func.func @pool(%arg0: i32, %arg1: i32, %arg2: memref<1x102400xi32, #tpu.memory_space<hbm>>, %arg3: memref<4096x200xi32, #tpu.memory_space<hbm>>, %arg4: memref<8192xf32, #tpu.memory_space<hbm>>, %arg5: memref<102400xi32, #tpu.memory_space<vmem>>, %arg6: memref<102400xi32, #tpu.memory_space<vmem_shared>>, %arg7: memref<16x200xi32, #tpu.memory_space<vmem>>, %arg8: memref<16x200xi32, #tpu.memory_space<vmem>>, %arg9: memref<256xf32, #tpu.memory_space<vmem>>, %arg10: memref<!tpu.dma_semaphore, #tpu.memory_space<semaphore_mem>>, %arg11: memref<!tpu.dma_semaphore, #tpu.memory_space<semaphore_mem>>, %arg12: memref<!tpu.dma_semaphore, #tpu.memory_space<semaphore_mem>>) attributes {dimension_semantics = [#tpu.dimension_semantics<core_parallel>, #tpu.dimension_semantics<subcore_parallel>], iteration_bounds = array<i64: 2, 16>, scalar_prefetch = 0 : i64, scratch_operands = 8 : i64, tpu.core_type = #tpu.core_type<sc_vector_subcore>, window_params = [{transform_indices = #map}, {transform_indices = #map}, {transform_indices = #map1}]} {
    %mul3A = arith.constant 16 : i32
    %mul3A_0 = arith.muli %arg0, %mul3A : i32
    %add3A = arith.addi %mul3A_0, %arg1 : i32
    %mul3A_1 = arith.constant 128 : i32
    %mul3A_2 = arith.muli %add3A, %mul3A_1 : i32
    %eq3A = arith.constant 0 : i32
    %eq3A_3 = arith.cmpi eq, %arg1, %eq3A : i32
    %convert_element_type3A = arith.extui %eq3A_3 : i1 to i32
    %cond3A = arith.constant 0 : i32
    %cond3A_4 = arith.cmpi ne, %convert_element_type3A, %cond3A : i32
    scf.if %cond3A_4 {
      %run_scoped3A = arith.constant 0 : i32
      "tpu.region"() ({
        %run_scoped3A_237 = tpu.sem_alloc : memref<!tpu.dma_semaphore, #tpu.memory_space<semaphore_mem>>
        %dma_start3A_238 = arith.constant 0 : i32
        %dma_start3A_239 = tpu.memref_slice %arg2[%run_scoped3A, %dma_start3A_238] : memref<1x102400xi32, #tpu.memory_space<hbm>> -> memref<1x102400xi32, #tpu.memory_space<hbm>>
        %dma_start3A_240 = tpu.memref_squeeze %dma_start3A_239 : memref<1x102400xi32, #tpu.memory_space<hbm>> -> memref<102400xi32, #tpu.memory_space<hbm>>
        tpu.enqueue_dma source(%dma_start3A_240 : memref<102400xi32, #tpu.memory_space<hbm>>) target(%arg6 : memref<102400xi32, #tpu.memory_space<vmem_shared>>) target_semaphore(%run_scoped3A_237 : memref<!tpu.dma_semaphore, #tpu.memory_space<semaphore_mem>>)
        %dma_wait3A_241 = arith.constant 0 : i32
        %dma_wait3A_242 = tpu.memref_slice %arg2[%run_scoped3A, %dma_wait3A_241] : memref<1x102400xi32, #tpu.memory_space<hbm>> -> memref<1x102400xi32, #tpu.memory_space<hbm>>
        %dma_wait3A_243 = tpu.memref_squeeze %dma_wait3A_242 : memref<1x102400xi32, #tpu.memory_space<hbm>> -> memref<102400xi32, #tpu.memory_space<hbm>>
        tpu.wait_dma2 semaphore(%run_scoped3A_237 : memref<!tpu.dma_semaphore, #tpu.memory_space<semaphore_mem>>) src(%dma_wait3A_243 : memref<102400xi32, #tpu.memory_space<hbm>>) dst(%arg6 : memref<102400xi32, #tpu.memory_space<vmem_shared>>)
        tpu.yield
      }) : () -> ()
    } else {
    }
    %add3A_5 = arith.constant 0 : i32
    %add3A_6 = arith.addi %mul3A_2, %add3A_5 : i32
    %dma_start3A = arith.constant 0 : i32
    %dma_start3A_7 = tpu.memref_slice %arg3[%add3A_6, %dma_start3A] : memref<4096x200xi32, #tpu.memory_space<hbm>> -> memref<16x200xi32, #tpu.memory_space<hbm>>
    %dma_start3A_8 = arith.constant 0 : i32
    %dma_start3A_9 = tpu.memref_slice %arg3[%add3A_6, %dma_start3A_8] : memref<4096x200xi32, #tpu.memory_space<hbm>> -> memref<16x200xi32, #tpu.memory_space<hbm>>
    tpu.enqueue_dma source(%dma_start3A_9 : memref<16x200xi32, #tpu.memory_space<hbm>>) target(%arg7 : memref<16x200xi32, #tpu.memory_space<vmem>>) target_semaphore(%arg11 : memref<!tpu.dma_semaphore, #tpu.memory_space<semaphore_mem>>)
    %add3A_10 = arith.constant 16 : i32
    %add3A_11 = arith.addi %mul3A_2, %add3A_10 : i32
    %dma_start3A_12 = arith.constant 0 : i32
    %dma_start3A_13 = tpu.memref_slice %arg3[%add3A_11, %dma_start3A_12] : memref<4096x200xi32, #tpu.memory_space<hbm>> -> memref<16x200xi32, #tpu.memory_space<hbm>>
    %dma_start3A_14 = arith.constant 0 : i32
    %dma_start3A_15 = tpu.memref_slice %arg3[%add3A_11, %dma_start3A_14] : memref<4096x200xi32, #tpu.memory_space<hbm>> -> memref<16x200xi32, #tpu.memory_space<hbm>>
    tpu.enqueue_dma source(%dma_start3A_15 : memref<16x200xi32, #tpu.memory_space<hbm>>) target(%arg8 : memref<16x200xi32, #tpu.memory_space<vmem>>) target_semaphore(%arg12 : memref<!tpu.dma_semaphore, #tpu.memory_space<semaphore_mem>>)
    %barrier3A = arith.constant 0 : index
    tpu.barrier barrier_id(%barrier3A)
    tpu.enqueue_dma source(%arg6 : memref<102400xi32, #tpu.memory_space<vmem_shared>>) target(%arg5 : memref<102400xi32, #tpu.memory_space<vmem>>) target_semaphore(%arg10 : memref<!tpu.dma_semaphore, #tpu.memory_space<semaphore_mem>>)
    tpu.wait_dma2 semaphore(%arg10 : memref<!tpu.dma_semaphore, #tpu.memory_space<semaphore_mem>>) src(%arg6 : memref<102400xi32, #tpu.memory_space<vmem_shared>>) dst(%arg5 : memref<102400xi32, #tpu.memory_space<vmem>>)
    %broadcast_in_dim3A = arith.constant -65536 : i32
    %broadcast_in_dim3A_16 = vector.broadcast %broadcast_in_dim3A : i32 to vector<16xi32>
    %iota3A = tpu.iota {dimensions = array<i32: 0>} : vector<16xi32>
    %dma_wait3A = arith.constant 0 : i32
    %dma_wait3A_17 = tpu.memref_slice %arg3[%add3A_6, %dma_wait3A] : memref<4096x200xi32, #tpu.memory_space<hbm>> -> memref<16x200xi32, #tpu.memory_space<hbm>>
    %dma_wait3A_18 = arith.constant 0 : i32
    %dma_wait3A_19 = tpu.memref_slice %arg3[%add3A_6, %dma_wait3A_18] : memref<4096x200xi32, #tpu.memory_space<hbm>> -> memref<16x200xi32, #tpu.memory_space<hbm>>
    tpu.wait_dma2 semaphore(%arg11 : memref<!tpu.dma_semaphore, #tpu.memory_space<semaphore_mem>>) src(%dma_wait3A_19 : memref<16x200xi32, #tpu.memory_space<hbm>>) dst(%arg7 : memref<16x200xi32, #tpu.memory_space<vmem>>)
    %broadcast_in_dim3A_20 = arith.constant 0.000000e+00 : f32
    %broadcast_in_dim3A_21 = vector.broadcast %broadcast_in_dim3A_20 : f32 to vector<16xf32>
    %scan3A = arith.constant 0 : i32
    %scan3A_22 = arith.constant 100 : i32
    %scan3A_23 = arith.addi %scan3A, %scan3A_22 : i32
    %scan3A_24 = arith.constant 4 : i32
    %scan3A_25:4 = scf.for %scan3A_237 = %scan3A to %scan3A_23 step %scan3A_24 iter_args(%scan3A_238 = %broadcast_in_dim3A_21, %scan3A_239 = %broadcast_in_dim3A_21, %scan3A_240 = %broadcast_in_dim3A_21, %scan3A_241 = %broadcast_in_dim3A_21) -> (vector<16xf32>, vector<16xf32>, vector<16xf32>, vector<16xf32>)  : i32 {
      %mul3A_242 = arith.constant 2 : i32
      %mul3A_243 = arith.muli %scan3A_237, %mul3A_242 : i32
      %add3A_244 = arith.constant 0 : i32
      %add3A_245 = arith.addi %mul3A_243, %add3A_244 : i32
      %broadcast_in_dim3A_246 = vector.broadcast %add3A_245 : i32 to vector<16xi32>
      %gather3A = tpu.vector_load_idx %arg7[%iota3A, %broadcast_in_dim3A_246] : memref<16x200xi32, #tpu.memory_space<vmem>>[vector<16xi32>, vector<16xi32>], vector<16xi32>,
      %gather3A_247 = tpu.vector_load_idx %arg5[%gather3A] : memref<102400xi32, #tpu.memory_space<vmem>>[vector<16xi32>], vector<16xi32>,
      %and3A = arith.andi %gather3A_247, %broadcast_in_dim3A_16 : vector<16xi32>
      %bitcast3A = vector.bitcast %and3A : vector<16xi32> to vector<16xf32>
      %shift_left3A = arith.constant 16 : i32
      %shift_left3A_248 = vector.broadcast %shift_left3A : i32 to vector<16xi32>
      %shift_left3A_249 = arith.shli %gather3A_247, %shift_left3A_248 : vector<16xi32>
      %bitcast3A_250 = vector.bitcast %shift_left3A_249 : vector<16xi32> to vector<16xf32>
      %add3A_251 = arith.addf %scan3A_238, %bitcast3A : vector<16xf32>
      %add3A_252 = arith.addf %scan3A_239, %bitcast3A_250 : vector<16xf32>
      %mul3A_253 = arith.constant 2 : i32
      %mul3A_254 = arith.muli %scan3A_237, %mul3A_253 : i32
      %add3A_255 = arith.constant 1 : i32
      %add3A_256 = arith.addi %mul3A_254, %add3A_255 : i32
      %broadcast_in_dim3A_257 = vector.broadcast %add3A_256 : i32 to vector<16xi32>
      %gather3A_258 = tpu.vector_load_idx %arg7[%iota3A, %broadcast_in_dim3A_257] : memref<16x200xi32, #tpu.memory_space<vmem>>[vector<16xi32>, vector<16xi32>], vector<16xi32>,
      %gather3A_259 = tpu.vector_load_idx %arg5[%gather3A_258] : memref<102400xi32, #tpu.memory_space<vmem>>[vector<16xi32>], vector<16xi32>,
      %and3A_260 = arith.andi %gather3A_259, %broadcast_in_dim3A_16 : vector<16xi32>
      %bitcast3A_261 = vector.bitcast %and3A_260 : vector<16xi32> to vector<16xf32>
      %shift_left3A_262 = arith.constant 16 : i32
      %shift_left3A_263 = vector.broadcast %shift_left3A_262 : i32 to vector<16xi32>
      %shift_left3A_264 = arith.shli %gather3A_259, %shift_left3A_263 : vector<16xi32>
      %bitcast3A_265 = vector.bitcast %shift_left3A_264 : vector<16xi32> to vector<16xf32>
      %add3A_266 = arith.addf %scan3A_240, %bitcast3A_261 : vector<16xf32>
      %add3A_267 = arith.addf %scan3A_241, %bitcast3A_265 : vector<16xf32>
      %scan3A_268 = arith.constant 1 : i32
      %scan3A_269 = arith.addi %scan3A_237, %scan3A_268 : i32
      %mul3A_270 = arith.constant 2 : i32
      %mul3A_271 = arith.muli %scan3A_269, %mul3A_270 : i32
      %add3A_272 = arith.constant 0 : i32
      %add3A_273 = arith.addi %mul3A_271, %add3A_272 : i32
      %broadcast_in_dim3A_274 = vector.broadcast %add3A_273 : i32 to vector<16xi32>
      %gather3A_275 = tpu.vector_load_idx %arg7[%iota3A, %broadcast_in_dim3A_274] : memref<16x200xi32, #tpu.memory_space<vmem>>[vector<16xi32>, vector<16xi32>], vector<16xi32>,
      %gather3A_276 = tpu.vector_load_idx %arg5[%gather3A_275] : memref<102400xi32, #tpu.memory_space<vmem>>[vector<16xi32>], vector<16xi32>,
      %and3A_277 = arith.andi %gather3A_276, %broadcast_in_dim3A_16 : vector<16xi32>
      %bitcast3A_278 = vector.bitcast %and3A_277 : vector<16xi32> to vector<16xf32>
      %shift_left3A_279 = arith.constant 16 : i32
      %shift_left3A_280 = vector.broadcast %shift_left3A_279 : i32 to vector<16xi32>
      %shift_left3A_281 = arith.shli %gather3A_276, %shift_left3A_280 : vector<16xi32>
      %bitcast3A_282 = vector.bitcast %shift_left3A_281 : vector<16xi32> to vector<16xf32>
      %add3A_283 = arith.addf %add3A_251, %bitcast3A_278 : vector<16xf32>
      %add3A_284 = arith.addf %add3A_252, %bitcast3A_282 : vector<16xf32>
      %mul3A_285 = arith.constant 2 : i32
      %mul3A_286 = arith.muli %scan3A_269, %mul3A_285 : i32
      %add3A_287 = arith.constant 1 : i32
      %add3A_288 = arith.addi %mul3A_286, %add3A_287 : i32
      %broadcast_in_dim3A_289 = vector.broadcast %add3A_288 : i32 to vector<16xi32>
      %gather3A_290 = tpu.vector_load_idx %arg7[%iota3A, %broadcast_in_dim3A_289] : memref<16x200xi32, #tpu.memory_space<vmem>>[vector<16xi32>, vector<16xi32>], vector<16xi32>,
      %gather3A_291 = tpu.vector_load_idx %arg5[%gather3A_290] : memref<102400xi32, #tpu.memory_space<vmem>>[vector<16xi32>], vector<16xi32>,
      %and3A_292 = arith.andi %gather3A_291, %broadcast_in_dim3A_16 : vector<16xi32>
      %bitcast3A_293 = vector.bitcast %and3A_292 : vector<16xi32> to vector<16xf32>
      %shift_left3A_294 = arith.constant 16 : i32
      %shift_left3A_295 = vector.broadcast %shift_left3A_294 : i32 to vector<16xi32>
      %shift_left3A_296 = arith.shli %gather3A_291, %shift_left3A_295 : vector<16xi32>
      %bitcast3A_297 = vector.bitcast %shift_left3A_296 : vector<16xi32> to vector<16xf32>
      %add3A_298 = arith.addf %add3A_266, %bitcast3A_293 : vector<16xf32>
      %add3A_299 = arith.addf %add3A_267, %bitcast3A_297 : vector<16xf32>
      %scan3A_300 = arith.constant 2 : i32
      %scan3A_301 = arith.addi %scan3A_237, %scan3A_300 : i32
      %mul3A_302 = arith.constant 2 : i32
      %mul3A_303 = arith.muli %scan3A_301, %mul3A_302 : i32
      %add3A_304 = arith.constant 0 : i32
      %add3A_305 = arith.addi %mul3A_303, %add3A_304 : i32
      %broadcast_in_dim3A_306 = vector.broadcast %add3A_305 : i32 to vector<16xi32>
      %gather3A_307 = tpu.vector_load_idx %arg7[%iota3A, %broadcast_in_dim3A_306] : memref<16x200xi32, #tpu.memory_space<vmem>>[vector<16xi32>, vector<16xi32>], vector<16xi32>,
      %gather3A_308 = tpu.vector_load_idx %arg5[%gather3A_307] : memref<102400xi32, #tpu.memory_space<vmem>>[vector<16xi32>], vector<16xi32>,
      %and3A_309 = arith.andi %gather3A_308, %broadcast_in_dim3A_16 : vector<16xi32>
      %bitcast3A_310 = vector.bitcast %and3A_309 : vector<16xi32> to vector<16xf32>
      %shift_left3A_311 = arith.constant 16 : i32
      %shift_left3A_312 = vector.broadcast %shift_left3A_311 : i32 to vector<16xi32>
      %shift_left3A_313 = arith.shli %gather3A_308, %shift_left3A_312 : vector<16xi32>
      %bitcast3A_314 = vector.bitcast %shift_left3A_313 : vector<16xi32> to vector<16xf32>
      %add3A_315 = arith.addf %add3A_283, %bitcast3A_310 : vector<16xf32>
      %add3A_316 = arith.addf %add3A_284, %bitcast3A_314 : vector<16xf32>
      %mul3A_317 = arith.constant 2 : i32
      %mul3A_318 = arith.muli %scan3A_301, %mul3A_317 : i32
      %add3A_319 = arith.constant 1 : i32
      %add3A_320 = arith.addi %mul3A_318, %add3A_319 : i32
      %broadcast_in_dim3A_321 = vector.broadcast %add3A_320 : i32 to vector<16xi32>
      %gather3A_322 = tpu.vector_load_idx %arg7[%iota3A, %broadcast_in_dim3A_321] : memref<16x200xi32, #tpu.memory_space<vmem>>[vector<16xi32>, vector<16xi32>], vector<16xi32>,
      %gather3A_323 = tpu.vector_load_idx %arg5[%gather3A_322] : memref<102400xi32, #tpu.memory_space<vmem>>[vector<16xi32>], vector<16xi32>,
      %and3A_324 = arith.andi %gather3A_323, %broadcast_in_dim3A_16 : vector<16xi32>
      %bitcast3A_325 = vector.bitcast %and3A_324 : vector<16xi32> to vector<16xf32>
      %shift_left3A_326 = arith.constant 16 : i32
      %shift_left3A_327 = vector.broadcast %shift_left3A_326 : i32 to vector<16xi32>
      %shift_left3A_328 = arith.shli %gather3A_323, %shift_left3A_327 : vector<16xi32>
      %bitcast3A_329 = vector.bitcast %shift_left3A_328 : vector<16xi32> to vector<16xf32>
      %add3A_330 = arith.addf %add3A_298, %bitcast3A_325 : vector<16xf32>
      %add3A_331 = arith.addf %add3A_299, %bitcast3A_329 : vector<16xf32>
      %scan3A_332 = arith.constant 3 : i32
      %scan3A_333 = arith.addi %scan3A_237, %scan3A_332 : i32
      %mul3A_334 = arith.constant 2 : i32
      %mul3A_335 = arith.muli %scan3A_333, %mul3A_334 : i32
      %add3A_336 = arith.constant 0 : i32
      %add3A_337 = arith.addi %mul3A_335, %add3A_336 : i32
      %broadcast_in_dim3A_338 = vector.broadcast %add3A_337 : i32 to vector<16xi32>
      %gather3A_339 = tpu.vector_load_idx %arg7[%iota3A, %broadcast_in_dim3A_338] : memref<16x200xi32, #tpu.memory_space<vmem>>[vector<16xi32>, vector<16xi32>], vector<16xi32>,
      %gather3A_340 = tpu.vector_load_idx %arg5[%gather3A_339] : memref<102400xi32, #tpu.memory_space<vmem>>[vector<16xi32>], vector<16xi32>,
      %and3A_341 = arith.andi %gather3A_340, %broadcast_in_dim3A_16 : vector<16xi32>
      %bitcast3A_342 = vector.bitcast %and3A_341 : vector<16xi32> to vector<16xf32>
      %shift_left3A_343 = arith.constant 16 : i32
      %shift_left3A_344 = vector.broadcast %shift_left3A_343 : i32 to vector<16xi32>
      %shift_left3A_345 = arith.shli %gather3A_340, %shift_left3A_344 : vector<16xi32>
      %bitcast3A_346 = vector.bitcast %shift_left3A_345 : vector<16xi32> to vector<16xf32>
      %add3A_347 = arith.addf %add3A_315, %bitcast3A_342 : vector<16xf32>
      %add3A_348 = arith.addf %add3A_316, %bitcast3A_346 : vector<16xf32>
      %mul3A_349 = arith.constant 2 : i32
      %mul3A_350 = arith.muli %scan3A_333, %mul3A_349 : i32
      %add3A_351 = arith.constant 1 : i32
      %add3A_352 = arith.addi %mul3A_350, %add3A_351 : i32
      %broadcast_in_dim3A_353 = vector.broadcast %add3A_352 : i32 to vector<16xi32>
      %gather3A_354 = tpu.vector_load_idx %arg7[%iota3A, %broadcast_in_dim3A_353] : memref<16x200xi32, #tpu.memory_space<vmem>>[vector<16xi32>, vector<16xi32>], vector<16xi32>,
      %gather3A_355 = tpu.vector_load_idx %arg5[%gather3A_354] : memref<102400xi32, #tpu.memory_space<vmem>>[vector<16xi32>], vector<16xi32>,
      %and3A_356 = arith.andi %gather3A_355, %broadcast_in_dim3A_16 : vector<16xi32>
      %bitcast3A_357 = vector.bitcast %and3A_356 : vector<16xi32> to vector<16xf32>
      %shift_left3A_358 = arith.constant 16 : i32
      %shift_left3A_359 = vector.broadcast %shift_left3A_358 : i32 to vector<16xi32>
      %shift_left3A_360 = arith.shli %gather3A_355, %shift_left3A_359 : vector<16xi32>
      %bitcast3A_361 = vector.bitcast %shift_left3A_360 : vector<16xi32> to vector<16xf32>
      %add3A_362 = arith.addf %add3A_330, %bitcast3A_357 : vector<16xf32>
      %add3A_363 = arith.addf %add3A_331, %bitcast3A_361 : vector<16xf32>
      scf.yield %add3A_347, %add3A_348, %add3A_362, %add3A_363 : vector<16xf32>, vector<16xf32>, vector<16xf32>, vector<16xf32>
    }
    %scan3A_26 = arith.constant 100 : i32
    %mul3A_27 = arith.constant 2 : i32
    %mul3A_28 = vector.broadcast %mul3A_27 : i32 to vector<16xi32>
    %mul3A_29 = arith.muli %iota3A, %mul3A_28 : vector<16xi32>
    %add3A_30 = arith.constant 0 : i32
    %add3A_31 = vector.broadcast %add3A_30 : i32 to vector<16xi32>
    %add3A_32 = arith.addi %mul3A_29, %add3A_31 : vector<16xi32>
    %add3A_33 = arith.addf %scan3A_25#0, %scan3A_25#2 : vector<16xf32>
    tpu.vector_store_idx %arg9[%add3A_32], %add3A_33 : memref<256xf32, #tpu.memory_space<vmem>>[vector<16xi32>], vector<16xf32>,
    %add3A_34 = arith.constant 1 : i32
    %add3A_35 = vector.broadcast %add3A_34 : i32 to vector<16xi32>
    %add3A_36 = arith.addi %add3A_32, %add3A_35 : vector<16xi32>
    %add3A_37 = arith.addf %scan3A_25#1, %scan3A_25#3 : vector<16xf32>
    tpu.vector_store_idx %arg9[%add3A_36], %add3A_37 : memref<256xf32, #tpu.memory_space<vmem>>[vector<16xi32>], vector<16xf32>,
    %add3A_38 = arith.constant 32 : i32
    %add3A_39 = arith.addi %mul3A_2, %add3A_38 : i32
    %dma_start3A_40 = arith.constant 0 : i32
    %dma_start3A_41 = tpu.memref_slice %arg3[%add3A_39, %dma_start3A_40] : memref<4096x200xi32, #tpu.memory_space<hbm>> -> memref<16x200xi32, #tpu.memory_space<hbm>>
    %dma_start3A_42 = arith.constant 0 : i32
    %dma_start3A_43 = tpu.memref_slice %arg3[%add3A_39, %dma_start3A_42] : memref<4096x200xi32, #tpu.memory_space<hbm>> -> memref<16x200xi32, #tpu.memory_space<hbm>>
    tpu.enqueue_dma source(%dma_start3A_43 : memref<16x200xi32, #tpu.memory_space<hbm>>) target(%arg7 : memref<16x200xi32, #tpu.memory_space<vmem>>) target_semaphore(%arg11 : memref<!tpu.dma_semaphore, #tpu.memory_space<semaphore_mem>>)
    %dma_wait3A_44 = arith.constant 0 : i32
    %dma_wait3A_45 = tpu.memref_slice %arg3[%add3A_11, %dma_wait3A_44] : memref<4096x200xi32, #tpu.memory_space<hbm>> -> memref<16x200xi32, #tpu.memory_space<hbm>>
    %dma_wait3A_46 = arith.constant 0 : i32
    %dma_wait3A_47 = tpu.memref_slice %arg3[%add3A_11, %dma_wait3A_46] : memref<4096x200xi32, #tpu.memory_space<hbm>> -> memref<16x200xi32, #tpu.memory_space<hbm>>
    tpu.wait_dma2 semaphore(%arg12 : memref<!tpu.dma_semaphore, #tpu.memory_space<semaphore_mem>>) src(%dma_wait3A_47 : memref<16x200xi32, #tpu.memory_space<hbm>>) dst(%arg8 : memref<16x200xi32, #tpu.memory_space<vmem>>)
    %broadcast_in_dim3A_48 = arith.constant 0.000000e+00 : f32
    %broadcast_in_dim3A_49 = vector.broadcast %broadcast_in_dim3A_48 : f32 to vector<16xf32>
    %scan3A_50 = arith.constant 0 : i32
    %scan3A_51 = arith.constant 100 : i32
    %scan3A_52 = arith.addi %scan3A_50, %scan3A_51 : i32
    %scan3A_53 = arith.constant 4 : i32
    %scan3A_54:4 = scf.for %scan3A_237 = %scan3A_50 to %scan3A_52 step %scan3A_53 iter_args(%scan3A_238 = %broadcast_in_dim3A_49, %scan3A_239 = %broadcast_in_dim3A_49, %scan3A_240 = %broadcast_in_dim3A_49, %scan3A_241 = %broadcast_in_dim3A_49) -> (vector<16xf32>, vector<16xf32>, vector<16xf32>, vector<16xf32>)  : i32 {
      %mul3A_242 = arith.constant 2 : i32
      %mul3A_243 = arith.muli %scan3A_237, %mul3A_242 : i32
      %add3A_244 = arith.constant 0 : i32
      %add3A_245 = arith.addi %mul3A_243, %add3A_244 : i32
      %broadcast_in_dim3A_246 = vector.broadcast %add3A_245 : i32 to vector<16xi32>
      %gather3A = tpu.vector_load_idx %arg8[%iota3A, %broadcast_in_dim3A_246] : memref<16x200xi32, #tpu.memory_space<vmem>>[vector<16xi32>, vector<16xi32>], vector<16xi32>,
      %gather3A_247 = tpu.vector_load_idx %arg5[%gather3A] : memref<102400xi32, #tpu.memory_space<vmem>>[vector<16xi32>], vector<16xi32>,
      %and3A = arith.andi %gather3A_247, %broadcast_in_dim3A_16 : vector<16xi32>
      %bitcast3A = vector.bitcast %and3A : vector<16xi32> to vector<16xf32>
      %shift_left3A = arith.constant 16 : i32
      %shift_left3A_248 = vector.broadcast %shift_left3A : i32 to vector<16xi32>
      %shift_left3A_249 = arith.shli %gather3A_247, %shift_left3A_248 : vector<16xi32>
      %bitcast3A_250 = vector.bitcast %shift_left3A_249 : vector<16xi32> to vector<16xf32>
      %add3A_251 = arith.addf %scan3A_238, %bitcast3A : vector<16xf32>
      %add3A_252 = arith.addf %scan3A_239, %bitcast3A_250 : vector<16xf32>
      %mul3A_253 = arith.constant 2 : i32
      %mul3A_254 = arith.muli %scan3A_237, %mul3A_253 : i32
      %add3A_255 = arith.constant 1 : i32
      %add3A_256 = arith.addi %mul3A_254, %add3A_255 : i32
      %broadcast_in_dim3A_257 = vector.broadcast %add3A_256 : i32 to vector<16xi32>
      %gather3A_258 = tpu.vector_load_idx %arg8[%iota3A, %broadcast_in_dim3A_257] : memref<16x200xi32, #tpu.memory_space<vmem>>[vector<16xi32>, vector<16xi32>], vector<16xi32>,
      %gather3A_259 = tpu.vector_load_idx %arg5[%gather3A_258] : memref<102400xi32, #tpu.memory_space<vmem>>[vector<16xi32>], vector<16xi32>,
      %and3A_260 = arith.andi %gather3A_259, %broadcast_in_dim3A_16 : vector<16xi32>
      %bitcast3A_261 = vector.bitcast %and3A_260 : vector<16xi32> to vector<16xf32>
      %shift_left3A_262 = arith.constant 16 : i32
      %shift_left3A_263 = vector.broadcast %shift_left3A_262 : i32 to vector<16xi32>
      %shift_left3A_264 = arith.shli %gather3A_259, %shift_left3A_263 : vector<16xi32>
      %bitcast3A_265 = vector.bitcast %shift_left3A_264 : vector<16xi32> to vector<16xf32>
      %add3A_266 = arith.addf %scan3A_240, %bitcast3A_261 : vector<16xf32>
      %add3A_267 = arith.addf %scan3A_241, %bitcast3A_265 : vector<16xf32>
      %scan3A_268 = arith.constant 1 : i32
      %scan3A_269 = arith.addi %scan3A_237, %scan3A_268 : i32
      %mul3A_270 = arith.constant 2 : i32
      %mul3A_271 = arith.muli %scan3A_269, %mul3A_270 : i32
      %add3A_272 = arith.constant 0 : i32
      %add3A_273 = arith.addi %mul3A_271, %add3A_272 : i32
      %broadcast_in_dim3A_274 = vector.broadcast %add3A_273 : i32 to vector<16xi32>
      %gather3A_275 = tpu.vector_load_idx %arg8[%iota3A, %broadcast_in_dim3A_274] : memref<16x200xi32, #tpu.memory_space<vmem>>[vector<16xi32>, vector<16xi32>], vector<16xi32>,
      %gather3A_276 = tpu.vector_load_idx %arg5[%gather3A_275] : memref<102400xi32, #tpu.memory_space<vmem>>[vector<16xi32>], vector<16xi32>,
      %and3A_277 = arith.andi %gather3A_276, %broadcast_in_dim3A_16 : vector<16xi32>
      %bitcast3A_278 = vector.bitcast %and3A_277 : vector<16xi32> to vector<16xf32>
      %shift_left3A_279 = arith.constant 16 : i32
      %shift_left3A_280 = vector.broadcast %shift_left3A_279 : i32 to vector<16xi32>
      %shift_left3A_281 = arith.shli %gather3A_276, %shift_left3A_280 : vector<16xi32>
      %bitcast3A_282 = vector.bitcast %shift_left3A_281 : vector<16xi32> to vector<16xf32>
      %add3A_283 = arith.addf %add3A_251, %bitcast3A_278 : vector<16xf32>
      %add3A_284 = arith.addf %add3A_252, %bitcast3A_282 : vector<16xf32>
      %mul3A_285 = arith.constant 2 : i32
      %mul3A_286 = arith.muli %scan3A_269, %mul3A_285 : i32
      %add3A_287 = arith.constant 1 : i32
      %add3A_288 = arith.addi %mul3A_286, %add3A_287 : i32
      %broadcast_in_dim3A_289 = vector.broadcast %add3A_288 : i32 to vector<16xi32>
      %gather3A_290 = tpu.vector_load_idx %arg8[%iota3A, %broadcast_in_dim3A_289] : memref<16x200xi32, #tpu.memory_space<vmem>>[vector<16xi32>, vector<16xi32>], vector<16xi32>,
      %gather3A_291 = tpu.vector_load_idx %arg5[%gather3A_290] : memref<102400xi32, #tpu.memory_space<vmem>>[vector<16xi32>], vector<16xi32>,
      %and3A_292 = arith.andi %gather3A_291, %broadcast_in_dim3A_16 : vector<16xi32>
      %bitcast3A_293 = vector.bitcast %and3A_292 : vector<16xi32> to vector<16xf32>
      %shift_left3A_294 = arith.constant 16 : i32
      %shift_left3A_295 = vector.broadcast %shift_left3A_294 : i32 to vector<16xi32>
      %shift_left3A_296 = arith.shli %gather3A_291, %shift_left3A_295 : vector<16xi32>
      %bitcast3A_297 = vector.bitcast %shift_left3A_296 : vector<16xi32> to vector<16xf32>
      %add3A_298 = arith.addf %add3A_266, %bitcast3A_293 : vector<16xf32>
      %add3A_299 = arith.addf %add3A_267, %bitcast3A_297 : vector<16xf32>
      %scan3A_300 = arith.constant 2 : i32
      %scan3A_301 = arith.addi %scan3A_237, %scan3A_300 : i32
      %mul3A_302 = arith.constant 2 : i32
      %mul3A_303 = arith.muli %scan3A_301, %mul3A_302 : i32
      %add3A_304 = arith.constant 0 : i32
      %add3A_305 = arith.addi %mul3A_303, %add3A_304 : i32
      %broadcast_in_dim3A_306 = vector.broadcast %add3A_305 : i32 to vector<16xi32>
      %gather3A_307 = tpu.vector_load_idx %arg8[%iota3A, %broadcast_in_dim3A_306] : memref<16x200xi32, #tpu.memory_space<vmem>>[vector<16xi32>, vector<16xi32>], vector<16xi32>,
      %gather3A_308 = tpu.vector_load_idx %arg5[%gather3A_307] : memref<102400xi32, #tpu.memory_space<vmem>>[vector<16xi32>], vector<16xi32>,
      %and3A_309 = arith.andi %gather3A_308, %broadcast_in_dim3A_16 : vector<16xi32>
      %bitcast3A_310 = vector.bitcast %and3A_309 : vector<16xi32> to vector<16xf32>
      %shift_left3A_311 = arith.constant 16 : i32
      %shift_left3A_312 = vector.broadcast %shift_left3A_311 : i32 to vector<16xi32>
      %shift_left3A_313 = arith.shli %gather3A_308, %shift_left3A_312 : vector<16xi32>
      %bitcast3A_314 = vector.bitcast %shift_left3A_313 : vector<16xi32> to vector<16xf32>
      %add3A_315 = arith.addf %add3A_283, %bitcast3A_310 : vector<16xf32>
      %add3A_316 = arith.addf %add3A_284, %bitcast3A_314 : vector<16xf32>
      %mul3A_317 = arith.constant 2 : i32
      %mul3A_318 = arith.muli %scan3A_301, %mul3A_317 : i32
      %add3A_319 = arith.constant 1 : i32
      %add3A_320 = arith.addi %mul3A_318, %add3A_319 : i32
      %broadcast_in_dim3A_321 = vector.broadcast %add3A_320 : i32 to vector<16xi32>
      %gather3A_322 = tpu.vector_load_idx %arg8[%iota3A, %broadcast_in_dim3A_321] : memref<16x200xi32, #tpu.memory_space<vmem>>[vector<16xi32>, vector<16xi32>], vector<16xi32>,
      %gather3A_323 = tpu.vector_load_idx %arg5[%gather3A_322] : memref<102400xi32, #tpu.memory_space<vmem>>[vector<16xi32>], vector<16xi32>,
      %and3A_324 = arith.andi %gather3A_323, %broadcast_in_dim3A_16 : vector<16xi32>
      %bitcast3A_325 = vector.bitcast %and3A_324 : vector<16xi32> to vector<16xf32>
      %shift_left3A_326 = arith.constant 16 : i32
      %shift_left3A_327 = vector.broadcast %shift_left3A_326 : i32 to vector<16xi32>
      %shift_left3A_328 = arith.shli %gather3A_323, %shift_left3A_327 : vector<16xi32>
      %bitcast3A_329 = vector.bitcast %shift_left3A_328 : vector<16xi32> to vector<16xf32>
      %add3A_330 = arith.addf %add3A_298, %bitcast3A_325 : vector<16xf32>
      %add3A_331 = arith.addf %add3A_299, %bitcast3A_329 : vector<16xf32>
      %scan3A_332 = arith.constant 3 : i32
      %scan3A_333 = arith.addi %scan3A_237, %scan3A_332 : i32
      %mul3A_334 = arith.constant 2 : i32
      %mul3A_335 = arith.muli %scan3A_333, %mul3A_334 : i32
      %add3A_336 = arith.constant 0 : i32
      %add3A_337 = arith.addi %mul3A_335, %add3A_336 : i32
      %broadcast_in_dim3A_338 = vector.broadcast %add3A_337 : i32 to vector<16xi32>
      %gather3A_339 = tpu.vector_load_idx %arg8[%iota3A, %broadcast_in_dim3A_338] : memref<16x200xi32, #tpu.memory_space<vmem>>[vector<16xi32>, vector<16xi32>], vector<16xi32>,
      %gather3A_340 = tpu.vector_load_idx %arg5[%gather3A_339] : memref<102400xi32, #tpu.memory_space<vmem>>[vector<16xi32>], vector<16xi32>,
      %and3A_341 = arith.andi %gather3A_340, %broadcast_in_dim3A_16 : vector<16xi32>
      %bitcast3A_342 = vector.bitcast %and3A_341 : vector<16xi32> to vector<16xf32>
      %shift_left3A_343 = arith.constant 16 : i32
      %shift_left3A_344 = vector.broadcast %shift_left3A_343 : i32 to vector<16xi32>
      %shift_left3A_345 = arith.shli %gather3A_340, %shift_left3A_344 : vector<16xi32>
      %bitcast3A_346 = vector.bitcast %shift_left3A_345 : vector<16xi32> to vector<16xf32>
      %add3A_347 = arith.addf %add3A_315, %bitcast3A_342 : vector<16xf32>
      %add3A_348 = arith.addf %add3A_316, %bitcast3A_346 : vector<16xf32>
      %mul3A_349 = arith.constant 2 : i32
      %mul3A_350 = arith.muli %scan3A_333, %mul3A_349 : i32
      %add3A_351 = arith.constant 1 : i32
      %add3A_352 = arith.addi %mul3A_350, %add3A_351 : i32
      %broadcast_in_dim3A_353 = vector.broadcast %add3A_352 : i32 to vector<16xi32>
      %gather3A_354 = tpu.vector_load_idx %arg8[%iota3A, %broadcast_in_dim3A_353] : memref<16x200xi32, #tpu.memory_space<vmem>>[vector<16xi32>, vector<16xi32>], vector<16xi32>,
      %gather3A_355 = tpu.vector_load_idx %arg5[%gather3A_354] : memref<102400xi32, #tpu.memory_space<vmem>>[vector<16xi32>], vector<16xi32>,
      %and3A_356 = arith.andi %gather3A_355, %broadcast_in_dim3A_16 : vector<16xi32>
      %bitcast3A_357 = vector.bitcast %and3A_356 : vector<16xi32> to vector<16xf32>
      %shift_left3A_358 = arith.constant 16 : i32
      %shift_left3A_359 = vector.broadcast %shift_left3A_358 : i32 to vector<16xi32>
      %shift_left3A_360 = arith.shli %gather3A_355, %shift_left3A_359 : vector<16xi32>
      %bitcast3A_361 = vector.bitcast %shift_left3A_360 : vector<16xi32> to vector<16xf32>
      %add3A_362 = arith.addf %add3A_330, %bitcast3A_357 : vector<16xf32>
      %add3A_363 = arith.addf %add3A_331, %bitcast3A_361 : vector<16xf32>
      scf.yield %add3A_347, %add3A_348, %add3A_362, %add3A_363 : vector<16xf32>, vector<16xf32>, vector<16xf32>, vector<16xf32>
    }
    %scan3A_55 = arith.constant 100 : i32
    %mul3A_56 = arith.constant 2 : i32
    %mul3A_57 = vector.broadcast %mul3A_56 : i32 to vector<16xi32>
    %mul3A_58 = arith.muli %iota3A, %mul3A_57 : vector<16xi32>
    %add3A_59 = arith.constant 32 : i32
    %add3A_60 = vector.broadcast %add3A_59 : i32 to vector<16xi32>
    %add3A_61 = arith.addi %mul3A_58, %add3A_60 : vector<16xi32>
    %add3A_62 = arith.addf %scan3A_54#0, %scan3A_54#2 : vector<16xf32>
    tpu.vector_store_idx %arg9[%add3A_61], %add3A_62 : memref<256xf32, #tpu.memory_space<vmem>>[vector<16xi32>], vector<16xf32>,
    %add3A_63 = arith.constant 1 : i32
    %add3A_64 = vector.broadcast %add3A_63 : i32 to vector<16xi32>
    %add3A_65 = arith.addi %add3A_61, %add3A_64 : vector<16xi32>
    %add3A_66 = arith.addf %scan3A_54#1, %scan3A_54#3 : vector<16xf32>
    tpu.vector_store_idx %arg9[%add3A_65], %add3A_66 : memref<256xf32, #tpu.memory_space<vmem>>[vector<16xi32>], vector<16xf32>,
    %add3A_67 = arith.constant 48 : i32
    %add3A_68 = arith.addi %mul3A_2, %add3A_67 : i32
    %dma_start3A_69 = arith.constant 0 : i32
    %dma_start3A_70 = tpu.memref_slice %arg3[%add3A_68, %dma_start3A_69] : memref<4096x200xi32, #tpu.memory_space<hbm>> -> memref<16x200xi32, #tpu.memory_space<hbm>>
    %dma_start3A_71 = arith.constant 0 : i32
    %dma_start3A_72 = tpu.memref_slice %arg3[%add3A_68, %dma_start3A_71] : memref<4096x200xi32, #tpu.memory_space<hbm>> -> memref<16x200xi32, #tpu.memory_space<hbm>>
    tpu.enqueue_dma source(%dma_start3A_72 : memref<16x200xi32, #tpu.memory_space<hbm>>) target(%arg8 : memref<16x200xi32, #tpu.memory_space<vmem>>) target_semaphore(%arg12 : memref<!tpu.dma_semaphore, #tpu.memory_space<semaphore_mem>>)
    %dma_wait3A_73 = arith.constant 0 : i32
    %dma_wait3A_74 = tpu.memref_slice %arg3[%add3A_39, %dma_wait3A_73] : memref<4096x200xi32, #tpu.memory_space<hbm>> -> memref<16x200xi32, #tpu.memory_space<hbm>>
    %dma_wait3A_75 = arith.constant 0 : i32
    %dma_wait3A_76 = tpu.memref_slice %arg3[%add3A_39, %dma_wait3A_75] : memref<4096x200xi32, #tpu.memory_space<hbm>> -> memref<16x200xi32, #tpu.memory_space<hbm>>
    tpu.wait_dma2 semaphore(%arg11 : memref<!tpu.dma_semaphore, #tpu.memory_space<semaphore_mem>>) src(%dma_wait3A_76 : memref<16x200xi32, #tpu.memory_space<hbm>>) dst(%arg7 : memref<16x200xi32, #tpu.memory_space<vmem>>)
    %broadcast_in_dim3A_77 = arith.constant 0.000000e+00 : f32
    %broadcast_in_dim3A_78 = vector.broadcast %broadcast_in_dim3A_77 : f32 to vector<16xf32>
    %scan3A_79 = arith.constant 0 : i32
    %scan3A_80 = arith.constant 100 : i32
    %scan3A_81 = arith.addi %scan3A_79, %scan3A_80 : i32
    %scan3A_82 = arith.constant 4 : i32
    %scan3A_83:4 = scf.for %scan3A_237 = %scan3A_79 to %scan3A_81 step %scan3A_82 iter_args(%scan3A_238 = %broadcast_in_dim3A_78, %scan3A_239 = %broadcast_in_dim3A_78, %scan3A_240 = %broadcast_in_dim3A_78, %scan3A_241 = %broadcast_in_dim3A_78) -> (vector<16xf32>, vector<16xf32>, vector<16xf32>, vector<16xf32>)  : i32 {
      %mul3A_242 = arith.constant 2 : i32
      %mul3A_243 = arith.muli %scan3A_237, %mul3A_242 : i32
      %add3A_244 = arith.constant 0 : i32
      %add3A_245 = arith.addi %mul3A_243, %add3A_244 : i32
      %broadcast_in_dim3A_246 = vector.broadcast %add3A_245 : i32 to vector<16xi32>
      %gather3A = tpu.vector_load_idx %arg7[%iota3A, %broadcast_in_dim3A_246] : memref<16x200xi32, #tpu.memory_space<vmem>>[vector<16xi32>, vector<16xi32>], vector<16xi32>,
      %gather3A_247 = tpu.vector_load_idx %arg5[%gather3A] : memref<102400xi32, #tpu.memory_space<vmem>>[vector<16xi32>], vector<16xi32>,
      %and3A = arith.andi %gather3A_247, %broadcast_in_dim3A_16 : vector<16xi32>
      %bitcast3A = vector.bitcast %and3A : vector<16xi32> to vector<16xf32>
      %shift_left3A = arith.constant 16 : i32
      %shift_left3A_248 = vector.broadcast %shift_left3A : i32 to vector<16xi32>
      %shift_left3A_249 = arith.shli %gather3A_247, %shift_left3A_248 : vector<16xi32>
      %bitcast3A_250 = vector.bitcast %shift_left3A_249 : vector<16xi32> to vector<16xf32>
      %add3A_251 = arith.addf %scan3A_238, %bitcast3A : vector<16xf32>
      %add3A_252 = arith.addf %scan3A_239, %bitcast3A_250 : vector<16xf32>
      %mul3A_253 = arith.constant 2 : i32
      %mul3A_254 = arith.muli %scan3A_237, %mul3A_253 : i32
      %add3A_255 = arith.constant 1 : i32
      %add3A_256 = arith.addi %mul3A_254, %add3A_255 : i32
      %broadcast_in_dim3A_257 = vector.broadcast %add3A_256 : i32 to vector<16xi32>
      %gather3A_258 = tpu.vector_load_idx %arg7[%iota3A, %broadcast_in_dim3A_257] : memref<16x200xi32, #tpu.memory_space<vmem>>[vector<16xi32>, vector<16xi32>], vector<16xi32>,
      %gather3A_259 = tpu.vector_load_idx %arg5[%gather3A_258] : memref<102400xi32, #tpu.memory_space<vmem>>[vector<16xi32>], vector<16xi32>,
      %and3A_260 = arith.andi %gather3A_259, %broadcast_in_dim3A_16 : vector<16xi32>
      %bitcast3A_261 = vector.bitcast %and3A_260 : vector<16xi32> to vector<16xf32>
      %shift_left3A_262 = arith.constant 16 : i32
      %shift_left3A_263 = vector.broadcast %shift_left3A_262 : i32 to vector<16xi32>
      %shift_left3A_264 = arith.shli %gather3A_259, %shift_left3A_263 : vector<16xi32>
      %bitcast3A_265 = vector.bitcast %shift_left3A_264 : vector<16xi32> to vector<16xf32>
      %add3A_266 = arith.addf %scan3A_240, %bitcast3A_261 : vector<16xf32>
      %add3A_267 = arith.addf %scan3A_241, %bitcast3A_265 : vector<16xf32>
      %scan3A_268 = arith.constant 1 : i32
      %scan3A_269 = arith.addi %scan3A_237, %scan3A_268 : i32
      %mul3A_270 = arith.constant 2 : i32
      %mul3A_271 = arith.muli %scan3A_269, %mul3A_270 : i32
      %add3A_272 = arith.constant 0 : i32
      %add3A_273 = arith.addi %mul3A_271, %add3A_272 : i32
      %broadcast_in_dim3A_274 = vector.broadcast %add3A_273 : i32 to vector<16xi32>
      %gather3A_275 = tpu.vector_load_idx %arg7[%iota3A, %broadcast_in_dim3A_274] : memref<16x200xi32, #tpu.memory_space<vmem>>[vector<16xi32>, vector<16xi32>], vector<16xi32>,
      %gather3A_276 = tpu.vector_load_idx %arg5[%gather3A_275] : memref<102400xi32, #tpu.memory_space<vmem>>[vector<16xi32>], vector<16xi32>,
      %and3A_277 = arith.andi %gather3A_276, %broadcast_in_dim3A_16 : vector<16xi32>
      %bitcast3A_278 = vector.bitcast %and3A_277 : vector<16xi32> to vector<16xf32>
      %shift_left3A_279 = arith.constant 16 : i32
      %shift_left3A_280 = vector.broadcast %shift_left3A_279 : i32 to vector<16xi32>
      %shift_left3A_281 = arith.shli %gather3A_276, %shift_left3A_280 : vector<16xi32>
      %bitcast3A_282 = vector.bitcast %shift_left3A_281 : vector<16xi32> to vector<16xf32>
      %add3A_283 = arith.addf %add3A_251, %bitcast3A_278 : vector<16xf32>
      %add3A_284 = arith.addf %add3A_252, %bitcast3A_282 : vector<16xf32>
      %mul3A_285 = arith.constant 2 : i32
      %mul3A_286 = arith.muli %scan3A_269, %mul3A_285 : i32
      %add3A_287 = arith.constant 1 : i32
      %add3A_288 = arith.addi %mul3A_286, %add3A_287 : i32
      %broadcast_in_dim3A_289 = vector.broadcast %add3A_288 : i32 to vector<16xi32>
      %gather3A_290 = tpu.vector_load_idx %arg7[%iota3A, %broadcast_in_dim3A_289] : memref<16x200xi32, #tpu.memory_space<vmem>>[vector<16xi32>, vector<16xi32>], vector<16xi32>,
      %gather3A_291 = tpu.vector_load_idx %arg5[%gather3A_290] : memref<102400xi32, #tpu.memory_space<vmem>>[vector<16xi32>], vector<16xi32>,
      %and3A_292 = arith.andi %gather3A_291, %broadcast_in_dim3A_16 : vector<16xi32>
      %bitcast3A_293 = vector.bitcast %and3A_292 : vector<16xi32> to vector<16xf32>
      %shift_left3A_294 = arith.constant 16 : i32
      %shift_left3A_295 = vector.broadcast %shift_left3A_294 : i32 to vector<16xi32>
      %shift_left3A_296 = arith.shli %gather3A_291, %shift_left3A_295 : vector<16xi32>
      %bitcast3A_297 = vector.bitcast %shift_left3A_296 : vector<16xi32> to vector<16xf32>
      %add3A_298 = arith.addf %add3A_266, %bitcast3A_293 : vector<16xf32>
      %add3A_299 = arith.addf %add3A_267, %bitcast3A_297 : vector<16xf32>
      %scan3A_300 = arith.constant 2 : i32
      %scan3A_301 = arith.addi %scan3A_237, %scan3A_300 : i32
      %mul3A_302 = arith.constant 2 : i32
      %mul3A_303 = arith.muli %scan3A_301, %mul3A_302 : i32
      %add3A_304 = arith.constant 0 : i32
      %add3A_305 = arith.addi %mul3A_303, %add3A_304 : i32
      %broadcast_in_dim3A_306 = vector.broadcast %add3A_305 : i32 to vector<16xi32>
      %gather3A_307 = tpu.vector_load_idx %arg7[%iota3A, %broadcast_in_dim3A_306] : memref<16x200xi32, #tpu.memory_space<vmem>>[vector<16xi32>, vector<16xi32>], vector<16xi32>,
      %gather3A_308 = tpu.vector_load_idx %arg5[%gather3A_307] : memref<102400xi32, #tpu.memory_space<vmem>>[vector<16xi32>], vector<16xi32>,
      %and3A_309 = arith.andi %gather3A_308, %broadcast_in_dim3A_16 : vector<16xi32>
      %bitcast3A_310 = vector.bitcast %and3A_309 : vector<16xi32> to vector<16xf32>
      %shift_left3A_311 = arith.constant 16 : i32
      %shift_left3A_312 = vector.broadcast %shift_left3A_311 : i32 to vector<16xi32>
      %shift_left3A_313 = arith.shli %gather3A_308, %shift_left3A_312 : vector<16xi32>
      %bitcast3A_314 = vector.bitcast %shift_left3A_313 : vector<16xi32> to vector<16xf32>
      %add3A_315 = arith.addf %add3A_283, %bitcast3A_310 : vector<16xf32>
      %add3A_316 = arith.addf %add3A_284, %bitcast3A_314 : vector<16xf32>
      %mul3A_317 = arith.constant 2 : i32
      %mul3A_318 = arith.muli %scan3A_301, %mul3A_317 : i32
      %add3A_319 = arith.constant 1 : i32
      %add3A_320 = arith.addi %mul3A_318, %add3A_319 : i32
      %broadcast_in_dim3A_321 = vector.broadcast %add3A_320 : i32 to vector<16xi32>
      %gather3A_322 = tpu.vector_load_idx %arg7[%iota3A, %broadcast_in_dim3A_321] : memref<16x200xi32, #tpu.memory_space<vmem>>[vector<16xi32>, vector<16xi32>], vector<16xi32>,
      %gather3A_323 = tpu.vector_load_idx %arg5[%gather3A_322] : memref<102400xi32, #tpu.memory_space<vmem>>[vector<16xi32>], vector<16xi32>,
      %and3A_324 = arith.andi %gather3A_323, %broadcast_in_dim3A_16 : vector<16xi32>
      %bitcast3A_325 = vector.bitcast %and3A_324 : vector<16xi32> to vector<16xf32>
      %shift_left3A_326 = arith.constant 16 : i32
      %shift_left3A_327 = vector.broadcast %shift_left3A_326 : i32 to vector<16xi32>
      %shift_left3A_328 = arith.shli %gather3A_323, %shift_left3A_327 : vector<16xi32>
      %bitcast3A_329 = vector.bitcast %shift_left3A_328 : vector<16xi32> to vector<16xf32>
      %add3A_330 = arith.addf %add3A_298, %bitcast3A_325 : vector<16xf32>
      %add3A_331 = arith.addf %add3A_299, %bitcast3A_329 : vector<16xf32>
      %scan3A_332 = arith.constant 3 : i32
      %scan3A_333 = arith.addi %scan3A_237, %scan3A_332 : i32
      %mul3A_334 = arith.constant 2 : i32
      %mul3A_335 = arith.muli %scan3A_333, %mul3A_334 : i32
      %add3A_336 = arith.constant 0 : i32
      %add3A_337 = arith.addi %mul3A_335, %add3A_336 : i32
      %broadcast_in_dim3A_338 = vector.broadcast %add3A_337 : i32 to vector<16xi32>
      %gather3A_339 = tpu.vector_load_idx %arg7[%iota3A, %broadcast_in_dim3A_338] : memref<16x200xi32, #tpu.memory_space<vmem>>[vector<16xi32>, vector<16xi32>], vector<16xi32>,
      %gather3A_340 = tpu.vector_load_idx %arg5[%gather3A_339] : memref<102400xi32, #tpu.memory_space<vmem>>[vector<16xi32>], vector<16xi32>,
      %and3A_341 = arith.andi %gather3A_340, %broadcast_in_dim3A_16 : vector<16xi32>
      %bitcast3A_342 = vector.bitcast %and3A_341 : vector<16xi32> to vector<16xf32>
      %shift_left3A_343 = arith.constant 16 : i32
      %shift_left3A_344 = vector.broadcast %shift_left3A_343 : i32 to vector<16xi32>
      %shift_left3A_345 = arith.shli %gather3A_340, %shift_left3A_344 : vector<16xi32>
      %bitcast3A_346 = vector.bitcast %shift_left3A_345 : vector<16xi32> to vector<16xf32>
      %add3A_347 = arith.addf %add3A_315, %bitcast3A_342 : vector<16xf32>
      %add3A_348 = arith.addf %add3A_316, %bitcast3A_346 : vector<16xf32>
      %mul3A_349 = arith.constant 2 : i32
      %mul3A_350 = arith.muli %scan3A_333, %mul3A_349 : i32
      %add3A_351 = arith.constant 1 : i32
      %add3A_352 = arith.addi %mul3A_350, %add3A_351 : i32
      %broadcast_in_dim3A_353 = vector.broadcast %add3A_352 : i32 to vector<16xi32>
      %gather3A_354 = tpu.vector_load_idx %arg7[%iota3A, %broadcast_in_dim3A_353] : memref<16x200xi32, #tpu.memory_space<vmem>>[vector<16xi32>, vector<16xi32>], vector<16xi32>,
      %gather3A_355 = tpu.vector_load_idx %arg5[%gather3A_354] : memref<102400xi32, #tpu.memory_space<vmem>>[vector<16xi32>], vector<16xi32>,
      %and3A_356 = arith.andi %gather3A_355, %broadcast_in_dim3A_16 : vector<16xi32>
      %bitcast3A_357 = vector.bitcast %and3A_356 : vector<16xi32> to vector<16xf32>
      %shift_left3A_358 = arith.constant 16 : i32
      %shift_left3A_359 = vector.broadcast %shift_left3A_358 : i32 to vector<16xi32>
      %shift_left3A_360 = arith.shli %gather3A_355, %shift_left3A_359 : vector<16xi32>
      %bitcast3A_361 = vector.bitcast %shift_left3A_360 : vector<16xi32> to vector<16xf32>
      %add3A_362 = arith.addf %add3A_330, %bitcast3A_357 : vector<16xf32>
      %add3A_363 = arith.addf %add3A_331, %bitcast3A_361 : vector<16xf32>
      scf.yield %add3A_347, %add3A_348, %add3A_362, %add3A_363 : vector<16xf32>, vector<16xf32>, vector<16xf32>, vector<16xf32>
    }
    %scan3A_84 = arith.constant 100 : i32
    %mul3A_85 = arith.constant 2 : i32
    %mul3A_86 = vector.broadcast %mul3A_85 : i32 to vector<16xi32>
    %mul3A_87 = arith.muli %iota3A, %mul3A_86 : vector<16xi32>
    %add3A_88 = arith.constant 64 : i32
    %add3A_89 = vector.broadcast %add3A_88 : i32 to vector<16xi32>
    %add3A_90 = arith.addi %mul3A_87, %add3A_89 : vector<16xi32>
    %add3A_91 = arith.addf %scan3A_83#0, %scan3A_83#2 : vector<16xf32>
    tpu.vector_store_idx %arg9[%add3A_90], %add3A_91 : memref<256xf32, #tpu.memory_space<vmem>>[vector<16xi32>], vector<16xf32>,
    %add3A_92 = arith.constant 1 : i32
    %add3A_93 = vector.broadcast %add3A_92 : i32 to vector<16xi32>
    %add3A_94 = arith.addi %add3A_90, %add3A_93 : vector<16xi32>
    %add3A_95 = arith.addf %scan3A_83#1, %scan3A_83#3 : vector<16xf32>
    tpu.vector_store_idx %arg9[%add3A_94], %add3A_95 : memref<256xf32, #tpu.memory_space<vmem>>[vector<16xi32>], vector<16xf32>,
    %add3A_96 = arith.constant 64 : i32
    %add3A_97 = arith.addi %mul3A_2, %add3A_96 : i32
    %dma_start3A_98 = arith.constant 0 : i32
    %dma_start3A_99 = tpu.memref_slice %arg3[%add3A_97, %dma_start3A_98] : memref<4096x200xi32, #tpu.memory_space<hbm>> -> memref<16x200xi32, #tpu.memory_space<hbm>>
    %dma_start3A_100 = arith.constant 0 : i32
    %dma_start3A_101 = tpu.memref_slice %arg3[%add3A_97, %dma_start3A_100] : memref<4096x200xi32, #tpu.memory_space<hbm>> -> memref<16x200xi32, #tpu.memory_space<hbm>>
    tpu.enqueue_dma source(%dma_start3A_101 : memref<16x200xi32, #tpu.memory_space<hbm>>) target(%arg7 : memref<16x200xi32, #tpu.memory_space<vmem>>) target_semaphore(%arg11 : memref<!tpu.dma_semaphore, #tpu.memory_space<semaphore_mem>>)
    %dma_wait3A_102 = arith.constant 0 : i32
    %dma_wait3A_103 = tpu.memref_slice %arg3[%add3A_68, %dma_wait3A_102] : memref<4096x200xi32, #tpu.memory_space<hbm>> -> memref<16x200xi32, #tpu.memory_space<hbm>>
    %dma_wait3A_104 = arith.constant 0 : i32
    %dma_wait3A_105 = tpu.memref_slice %arg3[%add3A_68, %dma_wait3A_104] : memref<4096x200xi32, #tpu.memory_space<hbm>> -> memref<16x200xi32, #tpu.memory_space<hbm>>
    tpu.wait_dma2 semaphore(%arg12 : memref<!tpu.dma_semaphore, #tpu.memory_space<semaphore_mem>>) src(%dma_wait3A_105 : memref<16x200xi32, #tpu.memory_space<hbm>>) dst(%arg8 : memref<16x200xi32, #tpu.memory_space<vmem>>)
    %broadcast_in_dim3A_106 = arith.constant 0.000000e+00 : f32
    %broadcast_in_dim3A_107 = vector.broadcast %broadcast_in_dim3A_106 : f32 to vector<16xf32>
    %scan3A_108 = arith.constant 0 : i32
    %scan3A_109 = arith.constant 100 : i32
    %scan3A_110 = arith.addi %scan3A_108, %scan3A_109 : i32
    %scan3A_111 = arith.constant 4 : i32
    %scan3A_112:4 = scf.for %scan3A_237 = %scan3A_108 to %scan3A_110 step %scan3A_111 iter_args(%scan3A_238 = %broadcast_in_dim3A_107, %scan3A_239 = %broadcast_in_dim3A_107, %scan3A_240 = %broadcast_in_dim3A_107, %scan3A_241 = %broadcast_in_dim3A_107) -> (vector<16xf32>, vector<16xf32>, vector<16xf32>, vector<16xf32>)  : i32 {
      %mul3A_242 = arith.constant 2 : i32
      %mul3A_243 = arith.muli %scan3A_237, %mul3A_242 : i32
      %add3A_244 = arith.constant 0 : i32
      %add3A_245 = arith.addi %mul3A_243, %add3A_244 : i32
      %broadcast_in_dim3A_246 = vector.broadcast %add3A_245 : i32 to vector<16xi32>
      %gather3A = tpu.vector_load_idx %arg8[%iota3A, %broadcast_in_dim3A_246] : memref<16x200xi32, #tpu.memory_space<vmem>>[vector<16xi32>, vector<16xi32>], vector<16xi32>,
      %gather3A_247 = tpu.vector_load_idx %arg5[%gather3A] : memref<102400xi32, #tpu.memory_space<vmem>>[vector<16xi32>], vector<16xi32>,
      %and3A = arith.andi %gather3A_247, %broadcast_in_dim3A_16 : vector<16xi32>
      %bitcast3A = vector.bitcast %and3A : vector<16xi32> to vector<16xf32>
      %shift_left3A = arith.constant 16 : i32
      %shift_left3A_248 = vector.broadcast %shift_left3A : i32 to vector<16xi32>
      %shift_left3A_249 = arith.shli %gather3A_247, %shift_left3A_248 : vector<16xi32>
      %bitcast3A_250 = vector.bitcast %shift_left3A_249 : vector<16xi32> to vector<16xf32>
      %add3A_251 = arith.addf %scan3A_238, %bitcast3A : vector<16xf32>
      %add3A_252 = arith.addf %scan3A_239, %bitcast3A_250 : vector<16xf32>
      %mul3A_253 = arith.constant 2 : i32
      %mul3A_254 = arith.muli %scan3A_237, %mul3A_253 : i32
      %add3A_255 = arith.constant 1 : i32
      %add3A_256 = arith.addi %mul3A_254, %add3A_255 : i32
      %broadcast_in_dim3A_257 = vector.broadcast %add3A_256 : i32 to vector<16xi32>
      %gather3A_258 = tpu.vector_load_idx %arg8[%iota3A, %broadcast_in_dim3A_257] : memref<16x200xi32, #tpu.memory_space<vmem>>[vector<16xi32>, vector<16xi32>], vector<16xi32>,
      %gather3A_259 = tpu.vector_load_idx %arg5[%gather3A_258] : memref<102400xi32, #tpu.memory_space<vmem>>[vector<16xi32>], vector<16xi32>,
      %and3A_260 = arith.andi %gather3A_259, %broadcast_in_dim3A_16 : vector<16xi32>
      %bitcast3A_261 = vector.bitcast %and3A_260 : vector<16xi32> to vector<16xf32>
      %shift_left3A_262 = arith.constant 16 : i32
      %shift_left3A_263 = vector.broadcast %shift_left3A_262 : i32 to vector<16xi32>
      %shift_left3A_264 = arith.shli %gather3A_259, %shift_left3A_263 : vector<16xi32>
      %bitcast3A_265 = vector.bitcast %shift_left3A_264 : vector<16xi32> to vector<16xf32>
      %add3A_266 = arith.addf %scan3A_240, %bitcast3A_261 : vector<16xf32>
      %add3A_267 = arith.addf %scan3A_241, %bitcast3A_265 : vector<16xf32>
      %scan3A_268 = arith.constant 1 : i32
      %scan3A_269 = arith.addi %scan3A_237, %scan3A_268 : i32
      %mul3A_270 = arith.constant 2 : i32
      %mul3A_271 = arith.muli %scan3A_269, %mul3A_270 : i32
      %add3A_272 = arith.constant 0 : i32
      %add3A_273 = arith.addi %mul3A_271, %add3A_272 : i32
      %broadcast_in_dim3A_274 = vector.broadcast %add3A_273 : i32 to vector<16xi32>
      %gather3A_275 = tpu.vector_load_idx %arg8[%iota3A, %broadcast_in_dim3A_274] : memref<16x200xi32, #tpu.memory_space<vmem>>[vector<16xi32>, vector<16xi32>], vector<16xi32>,
      %gather3A_276 = tpu.vector_load_idx %arg5[%gather3A_275] : memref<102400xi32, #tpu.memory_space<vmem>>[vector<16xi32>], vector<16xi32>,
      %and3A_277 = arith.andi %gather3A_276, %broadcast_in_dim3A_16 : vector<16xi32>
      %bitcast3A_278 = vector.bitcast %and3A_277 : vector<16xi32> to vector<16xf32>
      %shift_left3A_279 = arith.constant 16 : i32
      %shift_left3A_280 = vector.broadcast %shift_left3A_279 : i32 to vector<16xi32>
      %shift_left3A_281 = arith.shli %gather3A_276, %shift_left3A_280 : vector<16xi32>
      %bitcast3A_282 = vector.bitcast %shift_left3A_281 : vector<16xi32> to vector<16xf32>
      %add3A_283 = arith.addf %add3A_251, %bitcast3A_278 : vector<16xf32>
      %add3A_284 = arith.addf %add3A_252, %bitcast3A_282 : vector<16xf32>
      %mul3A_285 = arith.constant 2 : i32
      %mul3A_286 = arith.muli %scan3A_269, %mul3A_285 : i32
      %add3A_287 = arith.constant 1 : i32
      %add3A_288 = arith.addi %mul3A_286, %add3A_287 : i32
      %broadcast_in_dim3A_289 = vector.broadcast %add3A_288 : i32 to vector<16xi32>
      %gather3A_290 = tpu.vector_load_idx %arg8[%iota3A, %broadcast_in_dim3A_289] : memref<16x200xi32, #tpu.memory_space<vmem>>[vector<16xi32>, vector<16xi32>], vector<16xi32>,
      %gather3A_291 = tpu.vector_load_idx %arg5[%gather3A_290] : memref<102400xi32, #tpu.memory_space<vmem>>[vector<16xi32>], vector<16xi32>,
      %and3A_292 = arith.andi %gather3A_291, %broadcast_in_dim3A_16 : vector<16xi32>
      %bitcast3A_293 = vector.bitcast %and3A_292 : vector<16xi32> to vector<16xf32>
      %shift_left3A_294 = arith.constant 16 : i32
      %shift_left3A_295 = vector.broadcast %shift_left3A_294 : i32 to vector<16xi32>
      %shift_left3A_296 = arith.shli %gather3A_291, %shift_left3A_295 : vector<16xi32>
      %bitcast3A_297 = vector.bitcast %shift_left3A_296 : vector<16xi32> to vector<16xf32>
      %add3A_298 = arith.addf %add3A_266, %bitcast3A_293 : vector<16xf32>
      %add3A_299 = arith.addf %add3A_267, %bitcast3A_297 : vector<16xf32>
      %scan3A_300 = arith.constant 2 : i32
      %scan3A_301 = arith.addi %scan3A_237, %scan3A_300 : i32
      %mul3A_302 = arith.constant 2 : i32
      %mul3A_303 = arith.muli %scan3A_301, %mul3A_302 : i32
      %add3A_304 = arith.constant 0 : i32
      %add3A_305 = arith.addi %mul3A_303, %add3A_304 : i32
      %broadcast_in_dim3A_306 = vector.broadcast %add3A_305 : i32 to vector<16xi32>
      %gather3A_307 = tpu.vector_load_idx %arg8[%iota3A, %broadcast_in_dim3A_306] : memref<16x200xi32, #tpu.memory_space<vmem>>[vector<16xi32>, vector<16xi32>], vector<16xi32>,
      %gather3A_308 = tpu.vector_load_idx %arg5[%gather3A_307] : memref<102400xi32, #tpu.memory_space<vmem>>[vector<16xi32>], vector<16xi32>,
      %and3A_309 = arith.andi %gather3A_308, %broadcast_in_dim3A_16 : vector<16xi32>
      %bitcast3A_310 = vector.bitcast %and3A_309 : vector<16xi32> to vector<16xf32>
      %shift_left3A_311 = arith.constant 16 : i32
      %shift_left3A_312 = vector.broadcast %shift_left3A_311 : i32 to vector<16xi32>
      %shift_left3A_313 = arith.shli %gather3A_308, %shift_left3A_312 : vector<16xi32>
      %bitcast3A_314 = vector.bitcast %shift_left3A_313 : vector<16xi32> to vector<16xf32>
      %add3A_315 = arith.addf %add3A_283, %bitcast3A_310 : vector<16xf32>
      %add3A_316 = arith.addf %add3A_284, %bitcast3A_314 : vector<16xf32>
      %mul3A_317 = arith.constant 2 : i32
      %mul3A_318 = arith.muli %scan3A_301, %mul3A_317 : i32
      %add3A_319 = arith.constant 1 : i32
      %add3A_320 = arith.addi %mul3A_318, %add3A_319 : i32
      %broadcast_in_dim3A_321 = vector.broadcast %add3A_320 : i32 to vector<16xi32>
      %gather3A_322 = tpu.vector_load_idx %arg8[%iota3A, %broadcast_in_dim3A_321] : memref<16x200xi32, #tpu.memory_space<vmem>>[vector<16xi32>, vector<16xi32>], vector<16xi32>,
      %gather3A_323 = tpu.vector_load_idx %arg5[%gather3A_322] : memref<102400xi32, #tpu.memory_space<vmem>>[vector<16xi32>], vector<16xi32>,
      %and3A_324 = arith.andi %gather3A_323, %broadcast_in_dim3A_16 : vector<16xi32>
      %bitcast3A_325 = vector.bitcast %and3A_324 : vector<16xi32> to vector<16xf32>
      %shift_left3A_326 = arith.constant 16 : i32
      %shift_left3A_327 = vector.broadcast %shift_left3A_326 : i32 to vector<16xi32>
      %shift_left3A_328 = arith.shli %gather3A_323, %shift_left3A_327 : vector<16xi32>
      %bitcast3A_329 = vector.bitcast %shift_left3A_328 : vector<16xi32> to vector<16xf32>
      %add3A_330 = arith.addf %add3A_298, %bitcast3A_325 : vector<16xf32>
      %add3A_331 = arith.addf %add3A_299, %bitcast3A_329 : vector<16xf32>
      %scan3A_332 = arith.constant 3 : i32
      %scan3A_333 = arith.addi %scan3A_237, %scan3A_332 : i32
      %mul3A_334 = arith.constant 2 : i32
      %mul3A_335 = arith.muli %scan3A_333, %mul3A_334 : i32
      %add3A_336 = arith.constant 0 : i32
      %add3A_337 = arith.addi %mul3A_335, %add3A_336 : i32
      %broadcast_in_dim3A_338 = vector.broadcast %add3A_337 : i32 to vector<16xi32>
      %gather3A_339 = tpu.vector_load_idx %arg8[%iota3A, %broadcast_in_dim3A_338] : memref<16x200xi32, #tpu.memory_space<vmem>>[vector<16xi32>, vector<16xi32>], vector<16xi32>,
      %gather3A_340 = tpu.vector_load_idx %arg5[%gather3A_339] : memref<102400xi32, #tpu.memory_space<vmem>>[vector<16xi32>], vector<16xi32>,
      %and3A_341 = arith.andi %gather3A_340, %broadcast_in_dim3A_16 : vector<16xi32>
      %bitcast3A_342 = vector.bitcast %and3A_341 : vector<16xi32> to vector<16xf32>
      %shift_left3A_343 = arith.constant 16 : i32
      %shift_left3A_344 = vector.broadcast %shift_left3A_343 : i32 to vector<16xi32>
      %shift_left3A_345 = arith.shli %gather3A_340, %shift_left3A_344 : vector<16xi32>
      %bitcast3A_346 = vector.bitcast %shift_left3A_345 : vector<16xi32> to vector<16xf32>
      %add3A_347 = arith.addf %add3A_315, %bitcast3A_342 : vector<16xf32>
      %add3A_348 = arith.addf %add3A_316, %bitcast3A_346 : vector<16xf32>
      %mul3A_349 = arith.constant 2 : i32
      %mul3A_350 = arith.muli %scan3A_333, %mul3A_349 : i32
      %add3A_351 = arith.constant 1 : i32
      %add3A_352 = arith.addi %mul3A_350, %add3A_351 : i32
      %broadcast_in_dim3A_353 = vector.broadcast %add3A_352 : i32 to vector<16xi32>
      %gather3A_354 = tpu.vector_load_idx %arg8[%iota3A, %broadcast_in_dim3A_353] : memref<16x200xi32, #tpu.memory_space<vmem>>[vector<16xi32>, vector<16xi32>], vector<16xi32>,
      %gather3A_355 = tpu.vector_load_idx %arg5[%gather3A_354] : memref<102400xi32, #tpu.memory_space<vmem>>[vector<16xi32>], vector<16xi32>,
      %and3A_356 = arith.andi %gather3A_355, %broadcast_in_dim3A_16 : vector<16xi32>
      %bitcast3A_357 = vector.bitcast %and3A_356 : vector<16xi32> to vector<16xf32>
      %shift_left3A_358 = arith.constant 16 : i32
      %shift_left3A_359 = vector.broadcast %shift_left3A_358 : i32 to vector<16xi32>
      %shift_left3A_360 = arith.shli %gather3A_355, %shift_left3A_359 : vector<16xi32>
      %bitcast3A_361 = vector.bitcast %shift_left3A_360 : vector<16xi32> to vector<16xf32>
      %add3A_362 = arith.addf %add3A_330, %bitcast3A_357 : vector<16xf32>
      %add3A_363 = arith.addf %add3A_331, %bitcast3A_361 : vector<16xf32>
      scf.yield %add3A_347, %add3A_348, %add3A_362, %add3A_363 : vector<16xf32>, vector<16xf32>, vector<16xf32>, vector<16xf32>
    }
    %scan3A_113 = arith.constant 100 : i32
    %mul3A_114 = arith.constant 2 : i32
    %mul3A_115 = vector.broadcast %mul3A_114 : i32 to vector<16xi32>
    %mul3A_116 = arith.muli %iota3A, %mul3A_115 : vector<16xi32>
    %add3A_117 = arith.constant 96 : i32
    %add3A_118 = vector.broadcast %add3A_117 : i32 to vector<16xi32>
    %add3A_119 = arith.addi %mul3A_116, %add3A_118 : vector<16xi32>
    %add3A_120 = arith.addf %scan3A_112#0, %scan3A_112#2 : vector<16xf32>
    tpu.vector_store_idx %arg9[%add3A_119], %add3A_120 : memref<256xf32, #tpu.memory_space<vmem>>[vector<16xi32>], vector<16xf32>,
    %add3A_121 = arith.constant 1 : i32
    %add3A_122 = vector.broadcast %add3A_121 : i32 to vector<16xi32>
    %add3A_123 = arith.addi %add3A_119, %add3A_122 : vector<16xi32>
    %add3A_124 = arith.addf %scan3A_112#1, %scan3A_112#3 : vector<16xf32>
    tpu.vector_store_idx %arg9[%add3A_123], %add3A_124 : memref<256xf32, #tpu.memory_space<vmem>>[vector<16xi32>], vector<16xf32>,
    %add3A_125 = arith.constant 80 : i32
    %add3A_126 = arith.addi %mul3A_2, %add3A_125 : i32
    %dma_start3A_127 = arith.constant 0 : i32
    %dma_start3A_128 = tpu.memref_slice %arg3[%add3A_126, %dma_start3A_127] : memref<4096x200xi32, #tpu.memory_space<hbm>> -> memref<16x200xi32, #tpu.memory_space<hbm>>
    %dma_start3A_129 = arith.constant 0 : i32
    %dma_start3A_130 = tpu.memref_slice %arg3[%add3A_126, %dma_start3A_129] : memref<4096x200xi32, #tpu.memory_space<hbm>> -> memref<16x200xi32, #tpu.memory_space<hbm>>
    tpu.enqueue_dma source(%dma_start3A_130 : memref<16x200xi32, #tpu.memory_space<hbm>>) target(%arg8 : memref<16x200xi32, #tpu.memory_space<vmem>>) target_semaphore(%arg12 : memref<!tpu.dma_semaphore, #tpu.memory_space<semaphore_mem>>)
    %dma_wait3A_131 = arith.constant 0 : i32
    %dma_wait3A_132 = tpu.memref_slice %arg3[%add3A_97, %dma_wait3A_131] : memref<4096x200xi32, #tpu.memory_space<hbm>> -> memref<16x200xi32, #tpu.memory_space<hbm>>
    %dma_wait3A_133 = arith.constant 0 : i32
    %dma_wait3A_134 = tpu.memref_slice %arg3[%add3A_97, %dma_wait3A_133] : memref<4096x200xi32, #tpu.memory_space<hbm>> -> memref<16x200xi32, #tpu.memory_space<hbm>>
    tpu.wait_dma2 semaphore(%arg11 : memref<!tpu.dma_semaphore, #tpu.memory_space<semaphore_mem>>) src(%dma_wait3A_134 : memref<16x200xi32, #tpu.memory_space<hbm>>) dst(%arg7 : memref<16x200xi32, #tpu.memory_space<vmem>>)
    %broadcast_in_dim3A_135 = arith.constant 0.000000e+00 : f32
    %broadcast_in_dim3A_136 = vector.broadcast %broadcast_in_dim3A_135 : f32 to vector<16xf32>
    %scan3A_137 = arith.constant 0 : i32
    %scan3A_138 = arith.constant 100 : i32
    %scan3A_139 = arith.addi %scan3A_137, %scan3A_138 : i32
    %scan3A_140 = arith.constant 4 : i32
    %scan3A_141:4 = scf.for %scan3A_237 = %scan3A_137 to %scan3A_139 step %scan3A_140 iter_args(%scan3A_238 = %broadcast_in_dim3A_136, %scan3A_239 = %broadcast_in_dim3A_136, %scan3A_240 = %broadcast_in_dim3A_136, %scan3A_241 = %broadcast_in_dim3A_136) -> (vector<16xf32>, vector<16xf32>, vector<16xf32>, vector<16xf32>)  : i32 {
      %mul3A_242 = arith.constant 2 : i32
      %mul3A_243 = arith.muli %scan3A_237, %mul3A_242 : i32
      %add3A_244 = arith.constant 0 : i32
      %add3A_245 = arith.addi %mul3A_243, %add3A_244 : i32
      %broadcast_in_dim3A_246 = vector.broadcast %add3A_245 : i32 to vector<16xi32>
      %gather3A = tpu.vector_load_idx %arg7[%iota3A, %broadcast_in_dim3A_246] : memref<16x200xi32, #tpu.memory_space<vmem>>[vector<16xi32>, vector<16xi32>], vector<16xi32>,
      %gather3A_247 = tpu.vector_load_idx %arg5[%gather3A] : memref<102400xi32, #tpu.memory_space<vmem>>[vector<16xi32>], vector<16xi32>,
      %and3A = arith.andi %gather3A_247, %broadcast_in_dim3A_16 : vector<16xi32>
      %bitcast3A = vector.bitcast %and3A : vector<16xi32> to vector<16xf32>
      %shift_left3A = arith.constant 16 : i32
      %shift_left3A_248 = vector.broadcast %shift_left3A : i32 to vector<16xi32>
      %shift_left3A_249 = arith.shli %gather3A_247, %shift_left3A_248 : vector<16xi32>
      %bitcast3A_250 = vector.bitcast %shift_left3A_249 : vector<16xi32> to vector<16xf32>
      %add3A_251 = arith.addf %scan3A_238, %bitcast3A : vector<16xf32>
      %add3A_252 = arith.addf %scan3A_239, %bitcast3A_250 : vector<16xf32>
      %mul3A_253 = arith.constant 2 : i32
      %mul3A_254 = arith.muli %scan3A_237, %mul3A_253 : i32
      %add3A_255 = arith.constant 1 : i32
      %add3A_256 = arith.addi %mul3A_254, %add3A_255 : i32
      %broadcast_in_dim3A_257 = vector.broadcast %add3A_256 : i32 to vector<16xi32>
      %gather3A_258 = tpu.vector_load_idx %arg7[%iota3A, %broadcast_in_dim3A_257] : memref<16x200xi32, #tpu.memory_space<vmem>>[vector<16xi32>, vector<16xi32>], vector<16xi32>,
      %gather3A_259 = tpu.vector_load_idx %arg5[%gather3A_258] : memref<102400xi32, #tpu.memory_space<vmem>>[vector<16xi32>], vector<16xi32>,
      %and3A_260 = arith.andi %gather3A_259, %broadcast_in_dim3A_16 : vector<16xi32>
      %bitcast3A_261 = vector.bitcast %and3A_260 : vector<16xi32> to vector<16xf32>
      %shift_left3A_262 = arith.constant 16 : i32
      %shift_left3A_263 = vector.broadcast %shift_left3A_262 : i32 to vector<16xi32>
      %shift_left3A_264 = arith.shli %gather3A_259, %shift_left3A_263 : vector<16xi32>
      %bitcast3A_265 = vector.bitcast %shift_left3A_264 : vector<16xi32> to vector<16xf32>
      %add3A_266 = arith.addf %scan3A_240, %bitcast3A_261 : vector<16xf32>
      %add3A_267 = arith.addf %scan3A_241, %bitcast3A_265 : vector<16xf32>
      %scan3A_268 = arith.constant 1 : i32
      %scan3A_269 = arith.addi %scan3A_237, %scan3A_268 : i32
      %mul3A_270 = arith.constant 2 : i32
      %mul3A_271 = arith.muli %scan3A_269, %mul3A_270 : i32
      %add3A_272 = arith.constant 0 : i32
      %add3A_273 = arith.addi %mul3A_271, %add3A_272 : i32
      %broadcast_in_dim3A_274 = vector.broadcast %add3A_273 : i32 to vector<16xi32>
      %gather3A_275 = tpu.vector_load_idx %arg7[%iota3A, %broadcast_in_dim3A_274] : memref<16x200xi32, #tpu.memory_space<vmem>>[vector<16xi32>, vector<16xi32>], vector<16xi32>,
      %gather3A_276 = tpu.vector_load_idx %arg5[%gather3A_275] : memref<102400xi32, #tpu.memory_space<vmem>>[vector<16xi32>], vector<16xi32>,
      %and3A_277 = arith.andi %gather3A_276, %broadcast_in_dim3A_16 : vector<16xi32>
      %bitcast3A_278 = vector.bitcast %and3A_277 : vector<16xi32> to vector<16xf32>
      %shift_left3A_279 = arith.constant 16 : i32
      %shift_left3A_280 = vector.broadcast %shift_left3A_279 : i32 to vector<16xi32>
      %shift_left3A_281 = arith.shli %gather3A_276, %shift_left3A_280 : vector<16xi32>
      %bitcast3A_282 = vector.bitcast %shift_left3A_281 : vector<16xi32> to vector<16xf32>
      %add3A_283 = arith.addf %add3A_251, %bitcast3A_278 : vector<16xf32>
      %add3A_284 = arith.addf %add3A_252, %bitcast3A_282 : vector<16xf32>
      %mul3A_285 = arith.constant 2 : i32
      %mul3A_286 = arith.muli %scan3A_269, %mul3A_285 : i32
      %add3A_287 = arith.constant 1 : i32
      %add3A_288 = arith.addi %mul3A_286, %add3A_287 : i32
      %broadcast_in_dim3A_289 = vector.broadcast %add3A_288 : i32 to vector<16xi32>
      %gather3A_290 = tpu.vector_load_idx %arg7[%iota3A, %broadcast_in_dim3A_289] : memref<16x200xi32, #tpu.memory_space<vmem>>[vector<16xi32>, vector<16xi32>], vector<16xi32>,
      %gather3A_291 = tpu.vector_load_idx %arg5[%gather3A_290] : memref<102400xi32, #tpu.memory_space<vmem>>[vector<16xi32>], vector<16xi32>,
      %and3A_292 = arith.andi %gather3A_291, %broadcast_in_dim3A_16 : vector<16xi32>
      %bitcast3A_293 = vector.bitcast %and3A_292 : vector<16xi32> to vector<16xf32>
      %shift_left3A_294 = arith.constant 16 : i32
      %shift_left3A_295 = vector.broadcast %shift_left3A_294 : i32 to vector<16xi32>
      %shift_left3A_296 = arith.shli %gather3A_291, %shift_left3A_295 : vector<16xi32>
      %bitcast3A_297 = vector.bitcast %shift_left3A_296 : vector<16xi32> to vector<16xf32>
      %add3A_298 = arith.addf %add3A_266, %bitcast3A_293 : vector<16xf32>
      %add3A_299 = arith.addf %add3A_267, %bitcast3A_297 : vector<16xf32>
      %scan3A_300 = arith.constant 2 : i32
      %scan3A_301 = arith.addi %scan3A_237, %scan3A_300 : i32
      %mul3A_302 = arith.constant 2 : i32
      %mul3A_303 = arith.muli %scan3A_301, %mul3A_302 : i32
      %add3A_304 = arith.constant 0 : i32
      %add3A_305 = arith.addi %mul3A_303, %add3A_304 : i32
      %broadcast_in_dim3A_306 = vector.broadcast %add3A_305 : i32 to vector<16xi32>
      %gather3A_307 = tpu.vector_load_idx %arg7[%iota3A, %broadcast_in_dim3A_306] : memref<16x200xi32, #tpu.memory_space<vmem>>[vector<16xi32>, vector<16xi32>], vector<16xi32>,
      %gather3A_308 = tpu.vector_load_idx %arg5[%gather3A_307] : memref<102400xi32, #tpu.memory_space<vmem>>[vector<16xi32>], vector<16xi32>,
      %and3A_309 = arith.andi %gather3A_308, %broadcast_in_dim3A_16 : vector<16xi32>
      %bitcast3A_310 = vector.bitcast %and3A_309 : vector<16xi32> to vector<16xf32>
      %shift_left3A_311 = arith.constant 16 : i32
      %shift_left3A_312 = vector.broadcast %shift_left3A_311 : i32 to vector<16xi32>
      %shift_left3A_313 = arith.shli %gather3A_308, %shift_left3A_312 : vector<16xi32>
      %bitcast3A_314 = vector.bitcast %shift_left3A_313 : vector<16xi32> to vector<16xf32>
      %add3A_315 = arith.addf %add3A_283, %bitcast3A_310 : vector<16xf32>
      %add3A_316 = arith.addf %add3A_284, %bitcast3A_314 : vector<16xf32>
      %mul3A_317 = arith.constant 2 : i32
      %mul3A_318 = arith.muli %scan3A_301, %mul3A_317 : i32
      %add3A_319 = arith.constant 1 : i32
      %add3A_320 = arith.addi %mul3A_318, %add3A_319 : i32
      %broadcast_in_dim3A_321 = vector.broadcast %add3A_320 : i32 to vector<16xi32>
      %gather3A_322 = tpu.vector_load_idx %arg7[%iota3A, %broadcast_in_dim3A_321] : memref<16x200xi32, #tpu.memory_space<vmem>>[vector<16xi32>, vector<16xi32>], vector<16xi32>,
      %gather3A_323 = tpu.vector_load_idx %arg5[%gather3A_322] : memref<102400xi32, #tpu.memory_space<vmem>>[vector<16xi32>], vector<16xi32>,
      %and3A_324 = arith.andi %gather3A_323, %broadcast_in_dim3A_16 : vector<16xi32>
      %bitcast3A_325 = vector.bitcast %and3A_324 : vector<16xi32> to vector<16xf32>
      %shift_left3A_326 = arith.constant 16 : i32
      %shift_left3A_327 = vector.broadcast %shift_left3A_326 : i32 to vector<16xi32>
      %shift_left3A_328 = arith.shli %gather3A_323, %shift_left3A_327 : vector<16xi32>
      %bitcast3A_329 = vector.bitcast %shift_left3A_328 : vector<16xi32> to vector<16xf32>
      %add3A_330 = arith.addf %add3A_298, %bitcast3A_325 : vector<16xf32>
      %add3A_331 = arith.addf %add3A_299, %bitcast3A_329 : vector<16xf32>
      %scan3A_332 = arith.constant 3 : i32
      %scan3A_333 = arith.addi %scan3A_237, %scan3A_332 : i32
      %mul3A_334 = arith.constant 2 : i32
      %mul3A_335 = arith.muli %scan3A_333, %mul3A_334 : i32
      %add3A_336 = arith.constant 0 : i32
      %add3A_337 = arith.addi %mul3A_335, %add3A_336 : i32
      %broadcast_in_dim3A_338 = vector.broadcast %add3A_337 : i32 to vector<16xi32>
      %gather3A_339 = tpu.vector_load_idx %arg7[%iota3A, %broadcast_in_dim3A_338] : memref<16x200xi32, #tpu.memory_space<vmem>>[vector<16xi32>, vector<16xi32>], vector<16xi32>,
      %gather3A_340 = tpu.vector_load_idx %arg5[%gather3A_339] : memref<102400xi32, #tpu.memory_space<vmem>>[vector<16xi32>], vector<16xi32>,
      %and3A_341 = arith.andi %gather3A_340, %broadcast_in_dim3A_16 : vector<16xi32>
      %bitcast3A_342 = vector.bitcast %and3A_341 : vector<16xi32> to vector<16xf32>
      %shift_left3A_343 = arith.constant 16 : i32
      %shift_left3A_344 = vector.broadcast %shift_left3A_343 : i32 to vector<16xi32>
      %shift_left3A_345 = arith.shli %gather3A_340, %shift_left3A_344 : vector<16xi32>
      %bitcast3A_346 = vector.bitcast %shift_left3A_345 : vector<16xi32> to vector<16xf32>
      %add3A_347 = arith.addf %add3A_315, %bitcast3A_342 : vector<16xf32>
      %add3A_348 = arith.addf %add3A_316, %bitcast3A_346 : vector<16xf32>
      %mul3A_349 = arith.constant 2 : i32
      %mul3A_350 = arith.muli %scan3A_333, %mul3A_349 : i32
      %add3A_351 = arith.constant 1 : i32
      %add3A_352 = arith.addi %mul3A_350, %add3A_351 : i32
      %broadcast_in_dim3A_353 = vector.broadcast %add3A_352 : i32 to vector<16xi32>
      %gather3A_354 = tpu.vector_load_idx %arg7[%iota3A, %broadcast_in_dim3A_353] : memref<16x200xi32, #tpu.memory_space<vmem>>[vector<16xi32>, vector<16xi32>], vector<16xi32>,
      %gather3A_355 = tpu.vector_load_idx %arg5[%gather3A_354] : memref<102400xi32, #tpu.memory_space<vmem>>[vector<16xi32>], vector<16xi32>,
      %and3A_356 = arith.andi %gather3A_355, %broadcast_in_dim3A_16 : vector<16xi32>
      %bitcast3A_357 = vector.bitcast %and3A_356 : vector<16xi32> to vector<16xf32>
      %shift_left3A_358 = arith.constant 16 : i32
      %shift_left3A_359 = vector.broadcast %shift_left3A_358 : i32 to vector<16xi32>
      %shift_left3A_360 = arith.shli %gather3A_355, %shift_left3A_359 : vector<16xi32>
      %bitcast3A_361 = vector.bitcast %shift_left3A_360 : vector<16xi32> to vector<16xf32>
      %add3A_362 = arith.addf %add3A_330, %bitcast3A_357 : vector<16xf32>
      %add3A_363 = arith.addf %add3A_331, %bitcast3A_361 : vector<16xf32>
      scf.yield %add3A_347, %add3A_348, %add3A_362, %add3A_363 : vector<16xf32>, vector<16xf32>, vector<16xf32>, vector<16xf32>
    }
    %scan3A_142 = arith.constant 100 : i32
    %mul3A_143 = arith.constant 2 : i32
    %mul3A_144 = vector.broadcast %mul3A_143 : i32 to vector<16xi32>
    %mul3A_145 = arith.muli %iota3A, %mul3A_144 : vector<16xi32>
    %add3A_146 = arith.constant 128 : i32
    %add3A_147 = vector.broadcast %add3A_146 : i32 to vector<16xi32>
    %add3A_148 = arith.addi %mul3A_145, %add3A_147 : vector<16xi32>
    %add3A_149 = arith.addf %scan3A_141#0, %scan3A_141#2 : vector<16xf32>
    tpu.vector_store_idx %arg9[%add3A_148], %add3A_149 : memref<256xf32, #tpu.memory_space<vmem>>[vector<16xi32>], vector<16xf32>,
    %add3A_150 = arith.constant 1 : i32
    %add3A_151 = vector.broadcast %add3A_150 : i32 to vector<16xi32>
    %add3A_152 = arith.addi %add3A_148, %add3A_151 : vector<16xi32>
    %add3A_153 = arith.addf %scan3A_141#1, %scan3A_141#3 : vector<16xf32>
    tpu.vector_store_idx %arg9[%add3A_152], %add3A_153 : memref<256xf32, #tpu.memory_space<vmem>>[vector<16xi32>], vector<16xf32>,
    %add3A_154 = arith.constant 96 : i32
    %add3A_155 = arith.addi %mul3A_2, %add3A_154 : i32
    %dma_start3A_156 = arith.constant 0 : i32
    %dma_start3A_157 = tpu.memref_slice %arg3[%add3A_155, %dma_start3A_156] : memref<4096x200xi32, #tpu.memory_space<hbm>> -> memref<16x200xi32, #tpu.memory_space<hbm>>
    %dma_start3A_158 = arith.constant 0 : i32
    %dma_start3A_159 = tpu.memref_slice %arg3[%add3A_155, %dma_start3A_158] : memref<4096x200xi32, #tpu.memory_space<hbm>> -> memref<16x200xi32, #tpu.memory_space<hbm>>
    tpu.enqueue_dma source(%dma_start3A_159 : memref<16x200xi32, #tpu.memory_space<hbm>>) target(%arg7 : memref<16x200xi32, #tpu.memory_space<vmem>>) target_semaphore(%arg11 : memref<!tpu.dma_semaphore, #tpu.memory_space<semaphore_mem>>)
    %dma_wait3A_160 = arith.constant 0 : i32
    %dma_wait3A_161 = tpu.memref_slice %arg3[%add3A_126, %dma_wait3A_160] : memref<4096x200xi32, #tpu.memory_space<hbm>> -> memref<16x200xi32, #tpu.memory_space<hbm>>
    %dma_wait3A_162 = arith.constant 0 : i32
    %dma_wait3A_163 = tpu.memref_slice %arg3[%add3A_126, %dma_wait3A_162] : memref<4096x200xi32, #tpu.memory_space<hbm>> -> memref<16x200xi32, #tpu.memory_space<hbm>>
    tpu.wait_dma2 semaphore(%arg12 : memref<!tpu.dma_semaphore, #tpu.memory_space<semaphore_mem>>) src(%dma_wait3A_163 : memref<16x200xi32, #tpu.memory_space<hbm>>) dst(%arg8 : memref<16x200xi32, #tpu.memory_space<vmem>>)
    %broadcast_in_dim3A_164 = arith.constant 0.000000e+00 : f32
    %broadcast_in_dim3A_165 = vector.broadcast %broadcast_in_dim3A_164 : f32 to vector<16xf32>
    %scan3A_166 = arith.constant 0 : i32
    %scan3A_167 = arith.constant 100 : i32
    %scan3A_168 = arith.addi %scan3A_166, %scan3A_167 : i32
    %scan3A_169 = arith.constant 4 : i32
    %scan3A_170:4 = scf.for %scan3A_237 = %scan3A_166 to %scan3A_168 step %scan3A_169 iter_args(%scan3A_238 = %broadcast_in_dim3A_165, %scan3A_239 = %broadcast_in_dim3A_165, %scan3A_240 = %broadcast_in_dim3A_165, %scan3A_241 = %broadcast_in_dim3A_165) -> (vector<16xf32>, vector<16xf32>, vector<16xf32>, vector<16xf32>)  : i32 {
      %mul3A_242 = arith.constant 2 : i32
      %mul3A_243 = arith.muli %scan3A_237, %mul3A_242 : i32
      %add3A_244 = arith.constant 0 : i32
      %add3A_245 = arith.addi %mul3A_243, %add3A_244 : i32
      %broadcast_in_dim3A_246 = vector.broadcast %add3A_245 : i32 to vector<16xi32>
      %gather3A = tpu.vector_load_idx %arg8[%iota3A, %broadcast_in_dim3A_246] : memref<16x200xi32, #tpu.memory_space<vmem>>[vector<16xi32>, vector<16xi32>], vector<16xi32>,
      %gather3A_247 = tpu.vector_load_idx %arg5[%gather3A] : memref<102400xi32, #tpu.memory_space<vmem>>[vector<16xi32>], vector<16xi32>,
      %and3A = arith.andi %gather3A_247, %broadcast_in_dim3A_16 : vector<16xi32>
      %bitcast3A = vector.bitcast %and3A : vector<16xi32> to vector<16xf32>
      %shift_left3A = arith.constant 16 : i32
      %shift_left3A_248 = vector.broadcast %shift_left3A : i32 to vector<16xi32>
      %shift_left3A_249 = arith.shli %gather3A_247, %shift_left3A_248 : vector<16xi32>
      %bitcast3A_250 = vector.bitcast %shift_left3A_249 : vector<16xi32> to vector<16xf32>
      %add3A_251 = arith.addf %scan3A_238, %bitcast3A : vector<16xf32>
      %add3A_252 = arith.addf %scan3A_239, %bitcast3A_250 : vector<16xf32>
      %mul3A_253 = arith.constant 2 : i32
      %mul3A_254 = arith.muli %scan3A_237, %mul3A_253 : i32
      %add3A_255 = arith.constant 1 : i32
      %add3A_256 = arith.addi %mul3A_254, %add3A_255 : i32
      %broadcast_in_dim3A_257 = vector.broadcast %add3A_256 : i32 to vector<16xi32>
      %gather3A_258 = tpu.vector_load_idx %arg8[%iota3A, %broadcast_in_dim3A_257] : memref<16x200xi32, #tpu.memory_space<vmem>>[vector<16xi32>, vector<16xi32>], vector<16xi32>,
      %gather3A_259 = tpu.vector_load_idx %arg5[%gather3A_258] : memref<102400xi32, #tpu.memory_space<vmem>>[vector<16xi32>], vector<16xi32>,
      %and3A_260 = arith.andi %gather3A_259, %broadcast_in_dim3A_16 : vector<16xi32>
      %bitcast3A_261 = vector.bitcast %and3A_260 : vector<16xi32> to vector<16xf32>
      %shift_left3A_262 = arith.constant 16 : i32
      %shift_left3A_263 = vector.broadcast %shift_left3A_262 : i32 to vector<16xi32>
      %shift_left3A_264 = arith.shli %gather3A_259, %shift_left3A_263 : vector<16xi32>
      %bitcast3A_265 = vector.bitcast %shift_left3A_264 : vector<16xi32> to vector<16xf32>
      %add3A_266 = arith.addf %scan3A_240, %bitcast3A_261 : vector<16xf32>
      %add3A_267 = arith.addf %scan3A_241, %bitcast3A_265 : vector<16xf32>
      %scan3A_268 = arith.constant 1 : i32
      %scan3A_269 = arith.addi %scan3A_237, %scan3A_268 : i32
      %mul3A_270 = arith.constant 2 : i32
      %mul3A_271 = arith.muli %scan3A_269, %mul3A_270 : i32
      %add3A_272 = arith.constant 0 : i32
      %add3A_273 = arith.addi %mul3A_271, %add3A_272 : i32
      %broadcast_in_dim3A_274 = vector.broadcast %add3A_273 : i32 to vector<16xi32>
      %gather3A_275 = tpu.vector_load_idx %arg8[%iota3A, %broadcast_in_dim3A_274] : memref<16x200xi32, #tpu.memory_space<vmem>>[vector<16xi32>, vector<16xi32>], vector<16xi32>,
      %gather3A_276 = tpu.vector_load_idx %arg5[%gather3A_275] : memref<102400xi32, #tpu.memory_space<vmem>>[vector<16xi32>], vector<16xi32>,
      %and3A_277 = arith.andi %gather3A_276, %broadcast_in_dim3A_16 : vector<16xi32>
      %bitcast3A_278 = vector.bitcast %and3A_277 : vector<16xi32> to vector<16xf32>
      %shift_left3A_279 = arith.constant 16 : i32
      %shift_left3A_280 = vector.broadcast %shift_left3A_279 : i32 to vector<16xi32>
      %shift_left3A_281 = arith.shli %gather3A_276, %shift_left3A_280 : vector<16xi32>
      %bitcast3A_282 = vector.bitcast %shift_left3A_281 : vector<16xi32> to vector<16xf32>
      %add3A_283 = arith.addf %add3A_251, %bitcast3A_278 : vector<16xf32>
      %add3A_284 = arith.addf %add3A_252, %bitcast3A_282 : vector<16xf32>
      %mul3A_285 = arith.constant 2 : i32
      %mul3A_286 = arith.muli %scan3A_269, %mul3A_285 : i32
      %add3A_287 = arith.constant 1 : i32
      %add3A_288 = arith.addi %mul3A_286, %add3A_287 : i32
      %broadcast_in_dim3A_289 = vector.broadcast %add3A_288 : i32 to vector<16xi32>
      %gather3A_290 = tpu.vector_load_idx %arg8[%iota3A, %broadcast_in_dim3A_289] : memref<16x200xi32, #tpu.memory_space<vmem>>[vector<16xi32>, vector<16xi32>], vector<16xi32>,
      %gather3A_291 = tpu.vector_load_idx %arg5[%gather3A_290] : memref<102400xi32, #tpu.memory_space<vmem>>[vector<16xi32>], vector<16xi32>,
      %and3A_292 = arith.andi %gather3A_291, %broadcast_in_dim3A_16 : vector<16xi32>
      %bitcast3A_293 = vector.bitcast %and3A_292 : vector<16xi32> to vector<16xf32>
      %shift_left3A_294 = arith.constant 16 : i32
      %shift_left3A_295 = vector.broadcast %shift_left3A_294 : i32 to vector<16xi32>
      %shift_left3A_296 = arith.shli %gather3A_291, %shift_left3A_295 : vector<16xi32>
      %bitcast3A_297 = vector.bitcast %shift_left3A_296 : vector<16xi32> to vector<16xf32>
      %add3A_298 = arith.addf %add3A_266, %bitcast3A_293 : vector<16xf32>
      %add3A_299 = arith.addf %add3A_267, %bitcast3A_297 : vector<16xf32>
      %scan3A_300 = arith.constant 2 : i32
      %scan3A_301 = arith.addi %scan3A_237, %scan3A_300 : i32
      %mul3A_302 = arith.constant 2 : i32
      %mul3A_303 = arith.muli %scan3A_301, %mul3A_302 : i32
      %add3A_304 = arith.constant 0 : i32
      %add3A_305 = arith.addi %mul3A_303, %add3A_304 : i32
      %broadcast_in_dim3A_306 = vector.broadcast %add3A_305 : i32 to vector<16xi32>
      %gather3A_307 = tpu.vector_load_idx %arg8[%iota3A, %broadcast_in_dim3A_306] : memref<16x200xi32, #tpu.memory_space<vmem>>[vector<16xi32>, vector<16xi32>], vector<16xi32>,
      %gather3A_308 = tpu.vector_load_idx %arg5[%gather3A_307] : memref<102400xi32, #tpu.memory_space<vmem>>[vector<16xi32>], vector<16xi32>,
      %and3A_309 = arith.andi %gather3A_308, %broadcast_in_dim3A_16 : vector<16xi32>
      %bitcast3A_310 = vector.bitcast %and3A_309 : vector<16xi32> to vector<16xf32>
      %shift_left3A_311 = arith.constant 16 : i32
      %shift_left3A_312 = vector.broadcast %shift_left3A_311 : i32 to vector<16xi32>
      %shift_left3A_313 = arith.shli %gather3A_308, %shift_left3A_312 : vector<16xi32>
      %bitcast3A_314 = vector.bitcast %shift_left3A_313 : vector<16xi32> to vector<16xf32>
      %add3A_315 = arith.addf %add3A_283, %bitcast3A_310 : vector<16xf32>
      %add3A_316 = arith.addf %add3A_284, %bitcast3A_314 : vector<16xf32>
      %mul3A_317 = arith.constant 2 : i32
      %mul3A_318 = arith.muli %scan3A_301, %mul3A_317 : i32
      %add3A_319 = arith.constant 1 : i32
      %add3A_320 = arith.addi %mul3A_318, %add3A_319 : i32
      %broadcast_in_dim3A_321 = vector.broadcast %add3A_320 : i32 to vector<16xi32>
      %gather3A_322 = tpu.vector_load_idx %arg8[%iota3A, %broadcast_in_dim3A_321] : memref<16x200xi32, #tpu.memory_space<vmem>>[vector<16xi32>, vector<16xi32>], vector<16xi32>,
      %gather3A_323 = tpu.vector_load_idx %arg5[%gather3A_322] : memref<102400xi32, #tpu.memory_space<vmem>>[vector<16xi32>], vector<16xi32>,
      %and3A_324 = arith.andi %gather3A_323, %broadcast_in_dim3A_16 : vector<16xi32>
      %bitcast3A_325 = vector.bitcast %and3A_324 : vector<16xi32> to vector<16xf32>
      %shift_left3A_326 = arith.constant 16 : i32
      %shift_left3A_327 = vector.broadcast %shift_left3A_326 : i32 to vector<16xi32>
      %shift_left3A_328 = arith.shli %gather3A_323, %shift_left3A_327 : vector<16xi32>
      %bitcast3A_329 = vector.bitcast %shift_left3A_328 : vector<16xi32> to vector<16xf32>
      %add3A_330 = arith.addf %add3A_298, %bitcast3A_325 : vector<16xf32>
      %add3A_331 = arith.addf %add3A_299, %bitcast3A_329 : vector<16xf32>
      %scan3A_332 = arith.constant 3 : i32
      %scan3A_333 = arith.addi %scan3A_237, %scan3A_332 : i32
      %mul3A_334 = arith.constant 2 : i32
      %mul3A_335 = arith.muli %scan3A_333, %mul3A_334 : i32
      %add3A_336 = arith.constant 0 : i32
      %add3A_337 = arith.addi %mul3A_335, %add3A_336 : i32
      %broadcast_in_dim3A_338 = vector.broadcast %add3A_337 : i32 to vector<16xi32>
      %gather3A_339 = tpu.vector_load_idx %arg8[%iota3A, %broadcast_in_dim3A_338] : memref<16x200xi32, #tpu.memory_space<vmem>>[vector<16xi32>, vector<16xi32>], vector<16xi32>,
      %gather3A_340 = tpu.vector_load_idx %arg5[%gather3A_339] : memref<102400xi32, #tpu.memory_space<vmem>>[vector<16xi32>], vector<16xi32>,
      %and3A_341 = arith.andi %gather3A_340, %broadcast_in_dim3A_16 : vector<16xi32>
      %bitcast3A_342 = vector.bitcast %and3A_341 : vector<16xi32> to vector<16xf32>
      %shift_left3A_343 = arith.constant 16 : i32
      %shift_left3A_344 = vector.broadcast %shift_left3A_343 : i32 to vector<16xi32>
      %shift_left3A_345 = arith.shli %gather3A_340, %shift_left3A_344 : vector<16xi32>
      %bitcast3A_346 = vector.bitcast %shift_left3A_345 : vector<16xi32> to vector<16xf32>
      %add3A_347 = arith.addf %add3A_315, %bitcast3A_342 : vector<16xf32>
      %add3A_348 = arith.addf %add3A_316, %bitcast3A_346 : vector<16xf32>
      %mul3A_349 = arith.constant 2 : i32
      %mul3A_350 = arith.muli %scan3A_333, %mul3A_349 : i32
      %add3A_351 = arith.constant 1 : i32
      %add3A_352 = arith.addi %mul3A_350, %add3A_351 : i32
      %broadcast_in_dim3A_353 = vector.broadcast %add3A_352 : i32 to vector<16xi32>
      %gather3A_354 = tpu.vector_load_idx %arg8[%iota3A, %broadcast_in_dim3A_353] : memref<16x200xi32, #tpu.memory_space<vmem>>[vector<16xi32>, vector<16xi32>], vector<16xi32>,
      %gather3A_355 = tpu.vector_load_idx %arg5[%gather3A_354] : memref<102400xi32, #tpu.memory_space<vmem>>[vector<16xi32>], vector<16xi32>,
      %and3A_356 = arith.andi %gather3A_355, %broadcast_in_dim3A_16 : vector<16xi32>
      %bitcast3A_357 = vector.bitcast %and3A_356 : vector<16xi32> to vector<16xf32>
      %shift_left3A_358 = arith.constant 16 : i32
      %shift_left3A_359 = vector.broadcast %shift_left3A_358 : i32 to vector<16xi32>
      %shift_left3A_360 = arith.shli %gather3A_355, %shift_left3A_359 : vector<16xi32>
      %bitcast3A_361 = vector.bitcast %shift_left3A_360 : vector<16xi32> to vector<16xf32>
      %add3A_362 = arith.addf %add3A_330, %bitcast3A_357 : vector<16xf32>
      %add3A_363 = arith.addf %add3A_331, %bitcast3A_361 : vector<16xf32>
      scf.yield %add3A_347, %add3A_348, %add3A_362, %add3A_363 : vector<16xf32>, vector<16xf32>, vector<16xf32>, vector<16xf32>
    }
    %scan3A_171 = arith.constant 100 : i32
    %mul3A_172 = arith.constant 2 : i32
    %mul3A_173 = vector.broadcast %mul3A_172 : i32 to vector<16xi32>
    %mul3A_174 = arith.muli %iota3A, %mul3A_173 : vector<16xi32>
    %add3A_175 = arith.constant 160 : i32
    %add3A_176 = vector.broadcast %add3A_175 : i32 to vector<16xi32>
    %add3A_177 = arith.addi %mul3A_174, %add3A_176 : vector<16xi32>
    %add3A_178 = arith.addf %scan3A_170#0, %scan3A_170#2 : vector<16xf32>
    tpu.vector_store_idx %arg9[%add3A_177], %add3A_178 : memref<256xf32, #tpu.memory_space<vmem>>[vector<16xi32>], vector<16xf32>,
    %add3A_179 = arith.constant 1 : i32
    %add3A_180 = vector.broadcast %add3A_179 : i32 to vector<16xi32>
    %add3A_181 = arith.addi %add3A_177, %add3A_180 : vector<16xi32>
    %add3A_182 = arith.addf %scan3A_170#1, %scan3A_170#3 : vector<16xf32>
    tpu.vector_store_idx %arg9[%add3A_181], %add3A_182 : memref<256xf32, #tpu.memory_space<vmem>>[vector<16xi32>], vector<16xf32>,
    %add3A_183 = arith.constant 112 : i32
    %add3A_184 = arith.addi %mul3A_2, %add3A_183 : i32
    %dma_start3A_185 = arith.constant 0 : i32
    %dma_start3A_186 = tpu.memref_slice %arg3[%add3A_184, %dma_start3A_185] : memref<4096x200xi32, #tpu.memory_space<hbm>> -> memref<16x200xi32, #tpu.memory_space<hbm>>
    %dma_start3A_187 = arith.constant 0 : i32
    %dma_start3A_188 = tpu.memref_slice %arg3[%add3A_184, %dma_start3A_187] : memref<4096x200xi32, #tpu.memory_space<hbm>> -> memref<16x200xi32, #tpu.memory_space<hbm>>
    tpu.enqueue_dma source(%dma_start3A_188 : memref<16x200xi32, #tpu.memory_space<hbm>>) target(%arg8 : memref<16x200xi32, #tpu.memory_space<vmem>>) target_semaphore(%arg12 : memref<!tpu.dma_semaphore, #tpu.memory_space<semaphore_mem>>)
    %dma_wait3A_189 = arith.constant 0 : i32
    %dma_wait3A_190 = tpu.memref_slice %arg3[%add3A_155, %dma_wait3A_189] : memref<4096x200xi32, #tpu.memory_space<hbm>> -> memref<16x200xi32, #tpu.memory_space<hbm>>
    %dma_wait3A_191 = arith.constant 0 : i32
    %dma_wait3A_192 = tpu.memref_slice %arg3[%add3A_155, %dma_wait3A_191] : memref<4096x200xi32, #tpu.memory_space<hbm>> -> memref<16x200xi32, #tpu.memory_space<hbm>>
    tpu.wait_dma2 semaphore(%arg11 : memref<!tpu.dma_semaphore, #tpu.memory_space<semaphore_mem>>) src(%dma_wait3A_192 : memref<16x200xi32, #tpu.memory_space<hbm>>) dst(%arg7 : memref<16x200xi32, #tpu.memory_space<vmem>>)
    %broadcast_in_dim3A_193 = arith.constant 0.000000e+00 : f32
    %broadcast_in_dim3A_194 = vector.broadcast %broadcast_in_dim3A_193 : f32 to vector<16xf32>
    %scan3A_195 = arith.constant 0 : i32
    %scan3A_196 = arith.constant 100 : i32
    %scan3A_197 = arith.addi %scan3A_195, %scan3A_196 : i32
    %scan3A_198 = arith.constant 4 : i32
    %scan3A_199:4 = scf.for %scan3A_237 = %scan3A_195 to %scan3A_197 step %scan3A_198 iter_args(%scan3A_238 = %broadcast_in_dim3A_194, %scan3A_239 = %broadcast_in_dim3A_194, %scan3A_240 = %broadcast_in_dim3A_194, %scan3A_241 = %broadcast_in_dim3A_194) -> (vector<16xf32>, vector<16xf32>, vector<16xf32>, vector<16xf32>)  : i32 {
      %mul3A_242 = arith.constant 2 : i32
      %mul3A_243 = arith.muli %scan3A_237, %mul3A_242 : i32
      %add3A_244 = arith.constant 0 : i32
      %add3A_245 = arith.addi %mul3A_243, %add3A_244 : i32
      %broadcast_in_dim3A_246 = vector.broadcast %add3A_245 : i32 to vector<16xi32>
      %gather3A = tpu.vector_load_idx %arg7[%iota3A, %broadcast_in_dim3A_246] : memref<16x200xi32, #tpu.memory_space<vmem>>[vector<16xi32>, vector<16xi32>], vector<16xi32>,
      %gather3A_247 = tpu.vector_load_idx %arg5[%gather3A] : memref<102400xi32, #tpu.memory_space<vmem>>[vector<16xi32>], vector<16xi32>,
      %and3A = arith.andi %gather3A_247, %broadcast_in_dim3A_16 : vector<16xi32>
      %bitcast3A = vector.bitcast %and3A : vector<16xi32> to vector<16xf32>
      %shift_left3A = arith.constant 16 : i32
      %shift_left3A_248 = vector.broadcast %shift_left3A : i32 to vector<16xi32>
      %shift_left3A_249 = arith.shli %gather3A_247, %shift_left3A_248 : vector<16xi32>
      %bitcast3A_250 = vector.bitcast %shift_left3A_249 : vector<16xi32> to vector<16xf32>
      %add3A_251 = arith.addf %scan3A_238, %bitcast3A : vector<16xf32>
      %add3A_252 = arith.addf %scan3A_239, %bitcast3A_250 : vector<16xf32>
      %mul3A_253 = arith.constant 2 : i32
      %mul3A_254 = arith.muli %scan3A_237, %mul3A_253 : i32
      %add3A_255 = arith.constant 1 : i32
      %add3A_256 = arith.addi %mul3A_254, %add3A_255 : i32
      %broadcast_in_dim3A_257 = vector.broadcast %add3A_256 : i32 to vector<16xi32>
      %gather3A_258 = tpu.vector_load_idx %arg7[%iota3A, %broadcast_in_dim3A_257] : memref<16x200xi32, #tpu.memory_space<vmem>>[vector<16xi32>, vector<16xi32>], vector<16xi32>,
      %gather3A_259 = tpu.vector_load_idx %arg5[%gather3A_258] : memref<102400xi32, #tpu.memory_space<vmem>>[vector<16xi32>], vector<16xi32>,
      %and3A_260 = arith.andi %gather3A_259, %broadcast_in_dim3A_16 : vector<16xi32>
      %bitcast3A_261 = vector.bitcast %and3A_260 : vector<16xi32> to vector<16xf32>
      %shift_left3A_262 = arith.constant 16 : i32
      %shift_left3A_263 = vector.broadcast %shift_left3A_262 : i32 to vector<16xi32>
      %shift_left3A_264 = arith.shli %gather3A_259, %shift_left3A_263 : vector<16xi32>
      %bitcast3A_265 = vector.bitcast %shift_left3A_264 : vector<16xi32> to vector<16xf32>
      %add3A_266 = arith.addf %scan3A_240, %bitcast3A_261 : vector<16xf32>
      %add3A_267 = arith.addf %scan3A_241, %bitcast3A_265 : vector<16xf32>
      %scan3A_268 = arith.constant 1 : i32
      %scan3A_269 = arith.addi %scan3A_237, %scan3A_268 : i32
      %mul3A_270 = arith.constant 2 : i32
      %mul3A_271 = arith.muli %scan3A_269, %mul3A_270 : i32
      %add3A_272 = arith.constant 0 : i32
      %add3A_273 = arith.addi %mul3A_271, %add3A_272 : i32
      %broadcast_in_dim3A_274 = vector.broadcast %add3A_273 : i32 to vector<16xi32>
      %gather3A_275 = tpu.vector_load_idx %arg7[%iota3A, %broadcast_in_dim3A_274] : memref<16x200xi32, #tpu.memory_space<vmem>>[vector<16xi32>, vector<16xi32>], vector<16xi32>,
      %gather3A_276 = tpu.vector_load_idx %arg5[%gather3A_275] : memref<102400xi32, #tpu.memory_space<vmem>>[vector<16xi32>], vector<16xi32>,
      %and3A_277 = arith.andi %gather3A_276, %broadcast_in_dim3A_16 : vector<16xi32>
      %bitcast3A_278 = vector.bitcast %and3A_277 : vector<16xi32> to vector<16xf32>
      %shift_left3A_279 = arith.constant 16 : i32
      %shift_left3A_280 = vector.broadcast %shift_left3A_279 : i32 to vector<16xi32>
      %shift_left3A_281 = arith.shli %gather3A_276, %shift_left3A_280 : vector<16xi32>
      %bitcast3A_282 = vector.bitcast %shift_left3A_281 : vector<16xi32> to vector<16xf32>
      %add3A_283 = arith.addf %add3A_251, %bitcast3A_278 : vector<16xf32>
      %add3A_284 = arith.addf %add3A_252, %bitcast3A_282 : vector<16xf32>
      %mul3A_285 = arith.constant 2 : i32
      %mul3A_286 = arith.muli %scan3A_269, %mul3A_285 : i32
      %add3A_287 = arith.constant 1 : i32
      %add3A_288 = arith.addi %mul3A_286, %add3A_287 : i32
      %broadcast_in_dim3A_289 = vector.broadcast %add3A_288 : i32 to vector<16xi32>
      %gather3A_290 = tpu.vector_load_idx %arg7[%iota3A, %broadcast_in_dim3A_289] : memref<16x200xi32, #tpu.memory_space<vmem>>[vector<16xi32>, vector<16xi32>], vector<16xi32>,
      %gather3A_291 = tpu.vector_load_idx %arg5[%gather3A_290] : memref<102400xi32, #tpu.memory_space<vmem>>[vector<16xi32>], vector<16xi32>,
      %and3A_292 = arith.andi %gather3A_291, %broadcast_in_dim3A_16 : vector<16xi32>
      %bitcast3A_293 = vector.bitcast %and3A_292 : vector<16xi32> to vector<16xf32>
      %shift_left3A_294 = arith.constant 16 : i32
      %shift_left3A_295 = vector.broadcast %shift_left3A_294 : i32 to vector<16xi32>
      %shift_left3A_296 = arith.shli %gather3A_291, %shift_left3A_295 : vector<16xi32>
      %bitcast3A_297 = vector.bitcast %shift_left3A_296 : vector<16xi32> to vector<16xf32>
      %add3A_298 = arith.addf %add3A_266, %bitcast3A_293 : vector<16xf32>
      %add3A_299 = arith.addf %add3A_267, %bitcast3A_297 : vector<16xf32>
      %scan3A_300 = arith.constant 2 : i32
      %scan3A_301 = arith.addi %scan3A_237, %scan3A_300 : i32
      %mul3A_302 = arith.constant 2 : i32
      %mul3A_303 = arith.muli %scan3A_301, %mul3A_302 : i32
      %add3A_304 = arith.constant 0 : i32
      %add3A_305 = arith.addi %mul3A_303, %add3A_304 : i32
      %broadcast_in_dim3A_306 = vector.broadcast %add3A_305 : i32 to vector<16xi32>
      %gather3A_307 = tpu.vector_load_idx %arg7[%iota3A, %broadcast_in_dim3A_306] : memref<16x200xi32, #tpu.memory_space<vmem>>[vector<16xi32>, vector<16xi32>], vector<16xi32>,
      %gather3A_308 = tpu.vector_load_idx %arg5[%gather3A_307] : memref<102400xi32, #tpu.memory_space<vmem>>[vector<16xi32>], vector<16xi32>,
      %and3A_309 = arith.andi %gather3A_308, %broadcast_in_dim3A_16 : vector<16xi32>
      %bitcast3A_310 = vector.bitcast %and3A_309 : vector<16xi32> to vector<16xf32>
      %shift_left3A_311 = arith.constant 16 : i32
      %shift_left3A_312 = vector.broadcast %shift_left3A_311 : i32 to vector<16xi32>
      %shift_left3A_313 = arith.shli %gather3A_308, %shift_left3A_312 : vector<16xi32>
      %bitcast3A_314 = vector.bitcast %shift_left3A_313 : vector<16xi32> to vector<16xf32>
      %add3A_315 = arith.addf %add3A_283, %bitcast3A_310 : vector<16xf32>
      %add3A_316 = arith.addf %add3A_284, %bitcast3A_314 : vector<16xf32>
      %mul3A_317 = arith.constant 2 : i32
      %mul3A_318 = arith.muli %scan3A_301, %mul3A_317 : i32
      %add3A_319 = arith.constant 1 : i32
      %add3A_320 = arith.addi %mul3A_318, %add3A_319 : i32
      %broadcast_in_dim3A_321 = vector.broadcast %add3A_320 : i32 to vector<16xi32>
      %gather3A_322 = tpu.vector_load_idx %arg7[%iota3A, %broadcast_in_dim3A_321] : memref<16x200xi32, #tpu.memory_space<vmem>>[vector<16xi32>, vector<16xi32>], vector<16xi32>,
      %gather3A_323 = tpu.vector_load_idx %arg5[%gather3A_322] : memref<102400xi32, #tpu.memory_space<vmem>>[vector<16xi32>], vector<16xi32>,
      %and3A_324 = arith.andi %gather3A_323, %broadcast_in_dim3A_16 : vector<16xi32>
      %bitcast3A_325 = vector.bitcast %and3A_324 : vector<16xi32> to vector<16xf32>
      %shift_left3A_326 = arith.constant 16 : i32
      %shift_left3A_327 = vector.broadcast %shift_left3A_326 : i32 to vector<16xi32>
      %shift_left3A_328 = arith.shli %gather3A_323, %shift_left3A_327 : vector<16xi32>
      %bitcast3A_329 = vector.bitcast %shift_left3A_328 : vector<16xi32> to vector<16xf32>
      %add3A_330 = arith.addf %add3A_298, %bitcast3A_325 : vector<16xf32>
      %add3A_331 = arith.addf %add3A_299, %bitcast3A_329 : vector<16xf32>
      %scan3A_332 = arith.constant 3 : i32
      %scan3A_333 = arith.addi %scan3A_237, %scan3A_332 : i32
      %mul3A_334 = arith.constant 2 : i32
      %mul3A_335 = arith.muli %scan3A_333, %mul3A_334 : i32
      %add3A_336 = arith.constant 0 : i32
      %add3A_337 = arith.addi %mul3A_335, %add3A_336 : i32
      %broadcast_in_dim3A_338 = vector.broadcast %add3A_337 : i32 to vector<16xi32>
      %gather3A_339 = tpu.vector_load_idx %arg7[%iota3A, %broadcast_in_dim3A_338] : memref<16x200xi32, #tpu.memory_space<vmem>>[vector<16xi32>, vector<16xi32>], vector<16xi32>,
      %gather3A_340 = tpu.vector_load_idx %arg5[%gather3A_339] : memref<102400xi32, #tpu.memory_space<vmem>>[vector<16xi32>], vector<16xi32>,
      %and3A_341 = arith.andi %gather3A_340, %broadcast_in_dim3A_16 : vector<16xi32>
      %bitcast3A_342 = vector.bitcast %and3A_341 : vector<16xi32> to vector<16xf32>
      %shift_left3A_343 = arith.constant 16 : i32
      %shift_left3A_344 = vector.broadcast %shift_left3A_343 : i32 to vector<16xi32>
      %shift_left3A_345 = arith.shli %gather3A_340, %shift_left3A_344 : vector<16xi32>
      %bitcast3A_346 = vector.bitcast %shift_left3A_345 : vector<16xi32> to vector<16xf32>
      %add3A_347 = arith.addf %add3A_315, %bitcast3A_342 : vector<16xf32>
      %add3A_348 = arith.addf %add3A_316, %bitcast3A_346 : vector<16xf32>
      %mul3A_349 = arith.constant 2 : i32
      %mul3A_350 = arith.muli %scan3A_333, %mul3A_349 : i32
      %add3A_351 = arith.constant 1 : i32
      %add3A_352 = arith.addi %mul3A_350, %add3A_351 : i32
      %broadcast_in_dim3A_353 = vector.broadcast %add3A_352 : i32 to vector<16xi32>
      %gather3A_354 = tpu.vector_load_idx %arg7[%iota3A, %broadcast_in_dim3A_353] : memref<16x200xi32, #tpu.memory_space<vmem>>[vector<16xi32>, vector<16xi32>], vector<16xi32>,
      %gather3A_355 = tpu.vector_load_idx %arg5[%gather3A_354] : memref<102400xi32, #tpu.memory_space<vmem>>[vector<16xi32>], vector<16xi32>,
      %and3A_356 = arith.andi %gather3A_355, %broadcast_in_dim3A_16 : vector<16xi32>
      %bitcast3A_357 = vector.bitcast %and3A_356 : vector<16xi32> to vector<16xf32>
      %shift_left3A_358 = arith.constant 16 : i32
      %shift_left3A_359 = vector.broadcast %shift_left3A_358 : i32 to vector<16xi32>
      %shift_left3A_360 = arith.shli %gather3A_355, %shift_left3A_359 : vector<16xi32>
      %bitcast3A_361 = vector.bitcast %shift_left3A_360 : vector<16xi32> to vector<16xf32>
      %add3A_362 = arith.addf %add3A_330, %bitcast3A_357 : vector<16xf32>
      %add3A_363 = arith.addf %add3A_331, %bitcast3A_361 : vector<16xf32>
      scf.yield %add3A_347, %add3A_348, %add3A_362, %add3A_363 : vector<16xf32>, vector<16xf32>, vector<16xf32>, vector<16xf32>
    }
    %scan3A_200 = arith.constant 100 : i32
    %mul3A_201 = arith.constant 2 : i32
    %mul3A_202 = vector.broadcast %mul3A_201 : i32 to vector<16xi32>
    %mul3A_203 = arith.muli %iota3A, %mul3A_202 : vector<16xi32>
    %add3A_204 = arith.constant 192 : i32
    %add3A_205 = vector.broadcast %add3A_204 : i32 to vector<16xi32>
    %add3A_206 = arith.addi %mul3A_203, %add3A_205 : vector<16xi32>
    %add3A_207 = arith.addf %scan3A_199#0, %scan3A_199#2 : vector<16xf32>
    tpu.vector_store_idx %arg9[%add3A_206], %add3A_207 : memref<256xf32, #tpu.memory_space<vmem>>[vector<16xi32>], vector<16xf32>,
    %add3A_208 = arith.constant 1 : i32
    %add3A_209 = vector.broadcast %add3A_208 : i32 to vector<16xi32>
    %add3A_210 = arith.addi %add3A_206, %add3A_209 : vector<16xi32>
    %add3A_211 = arith.addf %scan3A_199#1, %scan3A_199#3 : vector<16xf32>
    tpu.vector_store_idx %arg9[%add3A_210], %add3A_211 : memref<256xf32, #tpu.memory_space<vmem>>[vector<16xi32>], vector<16xf32>,
    %dma_wait3A_212 = arith.constant 0 : i32
    %dma_wait3A_213 = tpu.memref_slice %arg3[%add3A_184, %dma_wait3A_212] : memref<4096x200xi32, #tpu.memory_space<hbm>> -> memref<16x200xi32, #tpu.memory_space<hbm>>
    %dma_wait3A_214 = arith.constant 0 : i32
    %dma_wait3A_215 = tpu.memref_slice %arg3[%add3A_184, %dma_wait3A_214] : memref<4096x200xi32, #tpu.memory_space<hbm>> -> memref<16x200xi32, #tpu.memory_space<hbm>>
    tpu.wait_dma2 semaphore(%arg12 : memref<!tpu.dma_semaphore, #tpu.memory_space<semaphore_mem>>) src(%dma_wait3A_215 : memref<16x200xi32, #tpu.memory_space<hbm>>) dst(%arg8 : memref<16x200xi32, #tpu.memory_space<vmem>>)
    %broadcast_in_dim3A_216 = arith.constant 0.000000e+00 : f32
    %broadcast_in_dim3A_217 = vector.broadcast %broadcast_in_dim3A_216 : f32 to vector<16xf32>
    %scan3A_218 = arith.constant 0 : i32
    %scan3A_219 = arith.constant 100 : i32
    %scan3A_220 = arith.addi %scan3A_218, %scan3A_219 : i32
    %scan3A_221 = arith.constant 4 : i32
    %scan3A_222:4 = scf.for %scan3A_237 = %scan3A_218 to %scan3A_220 step %scan3A_221 iter_args(%scan3A_238 = %broadcast_in_dim3A_217, %scan3A_239 = %broadcast_in_dim3A_217, %scan3A_240 = %broadcast_in_dim3A_217, %scan3A_241 = %broadcast_in_dim3A_217) -> (vector<16xf32>, vector<16xf32>, vector<16xf32>, vector<16xf32>)  : i32 {
      %mul3A_242 = arith.constant 2 : i32
      %mul3A_243 = arith.muli %scan3A_237, %mul3A_242 : i32
      %add3A_244 = arith.constant 0 : i32
      %add3A_245 = arith.addi %mul3A_243, %add3A_244 : i32
      %broadcast_in_dim3A_246 = vector.broadcast %add3A_245 : i32 to vector<16xi32>
      %gather3A = tpu.vector_load_idx %arg8[%iota3A, %broadcast_in_dim3A_246] : memref<16x200xi32, #tpu.memory_space<vmem>>[vector<16xi32>, vector<16xi32>], vector<16xi32>,
      %gather3A_247 = tpu.vector_load_idx %arg5[%gather3A] : memref<102400xi32, #tpu.memory_space<vmem>>[vector<16xi32>], vector<16xi32>,
      %and3A = arith.andi %gather3A_247, %broadcast_in_dim3A_16 : vector<16xi32>
      %bitcast3A = vector.bitcast %and3A : vector<16xi32> to vector<16xf32>
      %shift_left3A = arith.constant 16 : i32
      %shift_left3A_248 = vector.broadcast %shift_left3A : i32 to vector<16xi32>
      %shift_left3A_249 = arith.shli %gather3A_247, %shift_left3A_248 : vector<16xi32>
      %bitcast3A_250 = vector.bitcast %shift_left3A_249 : vector<16xi32> to vector<16xf32>
      %add3A_251 = arith.addf %scan3A_238, %bitcast3A : vector<16xf32>
      %add3A_252 = arith.addf %scan3A_239, %bitcast3A_250 : vector<16xf32>
      %mul3A_253 = arith.constant 2 : i32
      %mul3A_254 = arith.muli %scan3A_237, %mul3A_253 : i32
      %add3A_255 = arith.constant 1 : i32
      %add3A_256 = arith.addi %mul3A_254, %add3A_255 : i32
      %broadcast_in_dim3A_257 = vector.broadcast %add3A_256 : i32 to vector<16xi32>
      %gather3A_258 = tpu.vector_load_idx %arg8[%iota3A, %broadcast_in_dim3A_257] : memref<16x200xi32, #tpu.memory_space<vmem>>[vector<16xi32>, vector<16xi32>], vector<16xi32>,
      %gather3A_259 = tpu.vector_load_idx %arg5[%gather3A_258] : memref<102400xi32, #tpu.memory_space<vmem>>[vector<16xi32>], vector<16xi32>,
      %and3A_260 = arith.andi %gather3A_259, %broadcast_in_dim3A_16 : vector<16xi32>
      %bitcast3A_261 = vector.bitcast %and3A_260 : vector<16xi32> to vector<16xf32>
      %shift_left3A_262 = arith.constant 16 : i32
      %shift_left3A_263 = vector.broadcast %shift_left3A_262 : i32 to vector<16xi32>
      %shift_left3A_264 = arith.shli %gather3A_259, %shift_left3A_263 : vector<16xi32>
      %bitcast3A_265 = vector.bitcast %shift_left3A_264 : vector<16xi32> to vector<16xf32>
      %add3A_266 = arith.addf %scan3A_240, %bitcast3A_261 : vector<16xf32>
      %add3A_267 = arith.addf %scan3A_241, %bitcast3A_265 : vector<16xf32>
      %scan3A_268 = arith.constant 1 : i32
      %scan3A_269 = arith.addi %scan3A_237, %scan3A_268 : i32
      %mul3A_270 = arith.constant 2 : i32
      %mul3A_271 = arith.muli %scan3A_269, %mul3A_270 : i32
      %add3A_272 = arith.constant 0 : i32
      %add3A_273 = arith.addi %mul3A_271, %add3A_272 : i32
      %broadcast_in_dim3A_274 = vector.broadcast %add3A_273 : i32 to vector<16xi32>
      %gather3A_275 = tpu.vector_load_idx %arg8[%iota3A, %broadcast_in_dim3A_274] : memref<16x200xi32, #tpu.memory_space<vmem>>[vector<16xi32>, vector<16xi32>], vector<16xi32>,
      %gather3A_276 = tpu.vector_load_idx %arg5[%gather3A_275] : memref<102400xi32, #tpu.memory_space<vmem>>[vector<16xi32>], vector<16xi32>,
      %and3A_277 = arith.andi %gather3A_276, %broadcast_in_dim3A_16 : vector<16xi32>
      %bitcast3A_278 = vector.bitcast %and3A_277 : vector<16xi32> to vector<16xf32>
      %shift_left3A_279 = arith.constant 16 : i32
      %shift_left3A_280 = vector.broadcast %shift_left3A_279 : i32 to vector<16xi32>
      %shift_left3A_281 = arith.shli %gather3A_276, %shift_left3A_280 : vector<16xi32>
      %bitcast3A_282 = vector.bitcast %shift_left3A_281 : vector<16xi32> to vector<16xf32>
      %add3A_283 = arith.addf %add3A_251, %bitcast3A_278 : vector<16xf32>
      %add3A_284 = arith.addf %add3A_252, %bitcast3A_282 : vector<16xf32>
      %mul3A_285 = arith.constant 2 : i32
      %mul3A_286 = arith.muli %scan3A_269, %mul3A_285 : i32
      %add3A_287 = arith.constant 1 : i32
      %add3A_288 = arith.addi %mul3A_286, %add3A_287 : i32
      %broadcast_in_dim3A_289 = vector.broadcast %add3A_288 : i32 to vector<16xi32>
      %gather3A_290 = tpu.vector_load_idx %arg8[%iota3A, %broadcast_in_dim3A_289] : memref<16x200xi32, #tpu.memory_space<vmem>>[vector<16xi32>, vector<16xi32>], vector<16xi32>,
      %gather3A_291 = tpu.vector_load_idx %arg5[%gather3A_290] : memref<102400xi32, #tpu.memory_space<vmem>>[vector<16xi32>], vector<16xi32>,
      %and3A_292 = arith.andi %gather3A_291, %broadcast_in_dim3A_16 : vector<16xi32>
      %bitcast3A_293 = vector.bitcast %and3A_292 : vector<16xi32> to vector<16xf32>
      %shift_left3A_294 = arith.constant 16 : i32
      %shift_left3A_295 = vector.broadcast %shift_left3A_294 : i32 to vector<16xi32>
      %shift_left3A_296 = arith.shli %gather3A_291, %shift_left3A_295 : vector<16xi32>
      %bitcast3A_297 = vector.bitcast %shift_left3A_296 : vector<16xi32> to vector<16xf32>
      %add3A_298 = arith.addf %add3A_266, %bitcast3A_293 : vector<16xf32>
      %add3A_299 = arith.addf %add3A_267, %bitcast3A_297 : vector<16xf32>
      %scan3A_300 = arith.constant 2 : i32
      %scan3A_301 = arith.addi %scan3A_237, %scan3A_300 : i32
      %mul3A_302 = arith.constant 2 : i32
      %mul3A_303 = arith.muli %scan3A_301, %mul3A_302 : i32
      %add3A_304 = arith.constant 0 : i32
      %add3A_305 = arith.addi %mul3A_303, %add3A_304 : i32
      %broadcast_in_dim3A_306 = vector.broadcast %add3A_305 : i32 to vector<16xi32>
      %gather3A_307 = tpu.vector_load_idx %arg8[%iota3A, %broadcast_in_dim3A_306] : memref<16x200xi32, #tpu.memory_space<vmem>>[vector<16xi32>, vector<16xi32>], vector<16xi32>,
      %gather3A_308 = tpu.vector_load_idx %arg5[%gather3A_307] : memref<102400xi32, #tpu.memory_space<vmem>>[vector<16xi32>], vector<16xi32>,
      %and3A_309 = arith.andi %gather3A_308, %broadcast_in_dim3A_16 : vector<16xi32>
      %bitcast3A_310 = vector.bitcast %and3A_309 : vector<16xi32> to vector<16xf32>
      %shift_left3A_311 = arith.constant 16 : i32
      %shift_left3A_312 = vector.broadcast %shift_left3A_311 : i32 to vector<16xi32>
      %shift_left3A_313 = arith.shli %gather3A_308, %shift_left3A_312 : vector<16xi32>
      %bitcast3A_314 = vector.bitcast %shift_left3A_313 : vector<16xi32> to vector<16xf32>
      %add3A_315 = arith.addf %add3A_283, %bitcast3A_310 : vector<16xf32>
      %add3A_316 = arith.addf %add3A_284, %bitcast3A_314 : vector<16xf32>
      %mul3A_317 = arith.constant 2 : i32
      %mul3A_318 = arith.muli %scan3A_301, %mul3A_317 : i32
      %add3A_319 = arith.constant 1 : i32
      %add3A_320 = arith.addi %mul3A_318, %add3A_319 : i32
      %broadcast_in_dim3A_321 = vector.broadcast %add3A_320 : i32 to vector<16xi32>
      %gather3A_322 = tpu.vector_load_idx %arg8[%iota3A, %broadcast_in_dim3A_321] : memref<16x200xi32, #tpu.memory_space<vmem>>[vector<16xi32>, vector<16xi32>], vector<16xi32>,
      %gather3A_323 = tpu.vector_load_idx %arg5[%gather3A_322] : memref<102400xi32, #tpu.memory_space<vmem>>[vector<16xi32>], vector<16xi32>,
      %and3A_324 = arith.andi %gather3A_323, %broadcast_in_dim3A_16 : vector<16xi32>
      %bitcast3A_325 = vector.bitcast %and3A_324 : vector<16xi32> to vector<16xf32>
      %shift_left3A_326 = arith.constant 16 : i32
      %shift_left3A_327 = vector.broadcast %shift_left3A_326 : i32 to vector<16xi32>
      %shift_left3A_328 = arith.shli %gather3A_323, %shift_left3A_327 : vector<16xi32>
      %bitcast3A_329 = vector.bitcast %shift_left3A_328 : vector<16xi32> to vector<16xf32>
      %add3A_330 = arith.addf %add3A_298, %bitcast3A_325 : vector<16xf32>
      %add3A_331 = arith.addf %add3A_299, %bitcast3A_329 : vector<16xf32>
      %scan3A_332 = arith.constant 3 : i32
      %scan3A_333 = arith.addi %scan3A_237, %scan3A_332 : i32
      %mul3A_334 = arith.constant 2 : i32
      %mul3A_335 = arith.muli %scan3A_333, %mul3A_334 : i32
      %add3A_336 = arith.constant 0 : i32
      %add3A_337 = arith.addi %mul3A_335, %add3A_336 : i32
      %broadcast_in_dim3A_338 = vector.broadcast %add3A_337 : i32 to vector<16xi32>
      %gather3A_339 = tpu.vector_load_idx %arg8[%iota3A, %broadcast_in_dim3A_338] : memref<16x200xi32, #tpu.memory_space<vmem>>[vector<16xi32>, vector<16xi32>], vector<16xi32>,
      %gather3A_340 = tpu.vector_load_idx %arg5[%gather3A_339] : memref<102400xi32, #tpu.memory_space<vmem>>[vector<16xi32>], vector<16xi32>,
      %and3A_341 = arith.andi %gather3A_340, %broadcast_in_dim3A_16 : vector<16xi32>
      %bitcast3A_342 = vector.bitcast %and3A_341 : vector<16xi32> to vector<16xf32>
      %shift_left3A_343 = arith.constant 16 : i32
      %shift_left3A_344 = vector.broadcast %shift_left3A_343 : i32 to vector<16xi32>
      %shift_left3A_345 = arith.shli %gather3A_340, %shift_left3A_344 : vector<16xi32>
      %bitcast3A_346 = vector.bitcast %shift_left3A_345 : vector<16xi32> to vector<16xf32>
      %add3A_347 = arith.addf %add3A_315, %bitcast3A_342 : vector<16xf32>
      %add3A_348 = arith.addf %add3A_316, %bitcast3A_346 : vector<16xf32>
      %mul3A_349 = arith.constant 2 : i32
      %mul3A_350 = arith.muli %scan3A_333, %mul3A_349 : i32
      %add3A_351 = arith.constant 1 : i32
      %add3A_352 = arith.addi %mul3A_350, %add3A_351 : i32
      %broadcast_in_dim3A_353 = vector.broadcast %add3A_352 : i32 to vector<16xi32>
      %gather3A_354 = tpu.vector_load_idx %arg8[%iota3A, %broadcast_in_dim3A_353] : memref<16x200xi32, #tpu.memory_space<vmem>>[vector<16xi32>, vector<16xi32>], vector<16xi32>,
      %gather3A_355 = tpu.vector_load_idx %arg5[%gather3A_354] : memref<102400xi32, #tpu.memory_space<vmem>>[vector<16xi32>], vector<16xi32>,
      %and3A_356 = arith.andi %gather3A_355, %broadcast_in_dim3A_16 : vector<16xi32>
      %bitcast3A_357 = vector.bitcast %and3A_356 : vector<16xi32> to vector<16xf32>
      %shift_left3A_358 = arith.constant 16 : i32
      %shift_left3A_359 = vector.broadcast %shift_left3A_358 : i32 to vector<16xi32>
      %shift_left3A_360 = arith.shli %gather3A_355, %shift_left3A_359 : vector<16xi32>
      %bitcast3A_361 = vector.bitcast %shift_left3A_360 : vector<16xi32> to vector<16xf32>
      %add3A_362 = arith.addf %add3A_330, %bitcast3A_357 : vector<16xf32>
      %add3A_363 = arith.addf %add3A_331, %bitcast3A_361 : vector<16xf32>
      scf.yield %add3A_347, %add3A_348, %add3A_362, %add3A_363 : vector<16xf32>, vector<16xf32>, vector<16xf32>, vector<16xf32>
    }
    %scan3A_223 = arith.constant 100 : i32
    %mul3A_224 = arith.constant 2 : i32
    %mul3A_225 = vector.broadcast %mul3A_224 : i32 to vector<16xi32>
    %mul3A_226 = arith.muli %iota3A, %mul3A_225 : vector<16xi32>
    %add3A_227 = arith.constant 224 : i32
    %add3A_228 = vector.broadcast %add3A_227 : i32 to vector<16xi32>
    %add3A_229 = arith.addi %mul3A_226, %add3A_228 : vector<16xi32>
    %add3A_230 = arith.addf %scan3A_222#0, %scan3A_222#2 : vector<16xf32>
    tpu.vector_store_idx %arg9[%add3A_229], %add3A_230 : memref<256xf32, #tpu.memory_space<vmem>>[vector<16xi32>], vector<16xf32>,
    %add3A_231 = arith.constant 1 : i32
    %add3A_232 = vector.broadcast %add3A_231 : i32 to vector<16xi32>
    %add3A_233 = arith.addi %add3A_229, %add3A_232 : vector<16xi32>
    %add3A_234 = arith.addf %scan3A_222#1, %scan3A_222#3 : vector<16xf32>
    tpu.vector_store_idx %arg9[%add3A_233], %add3A_234 : memref<256xf32, #tpu.memory_space<vmem>>[vector<16xi32>], vector<16xf32>,
    %mul3A_235 = arith.constant 2 : i32
    %mul3A_236 = arith.muli %mul3A_2, %mul3A_235 : i32
    "tpu.region"() ({
      %run_scoped3A = tpu.sem_alloc : memref<!tpu.dma_semaphore, #tpu.memory_space<semaphore_mem>>
      %dma_start3A_237 = tpu.memref_slice %arg4[%mul3A_236] : memref<8192xf32, #tpu.memory_space<hbm>> -> memref<256xf32, #tpu.memory_space<hbm>>
      %dma_start3A_238 = tpu.memref_slice %arg4[%mul3A_236] : memref<8192xf32, #tpu.memory_space<hbm>> -> memref<256xf32, #tpu.memory_space<hbm>>
      tpu.enqueue_dma source(%arg9 : memref<256xf32, #tpu.memory_space<vmem>>) target(%dma_start3A_238 : memref<256xf32, #tpu.memory_space<hbm>>) target_semaphore(%run_scoped3A : memref<!tpu.dma_semaphore, #tpu.memory_space<semaphore_mem>>)
      %dma_wait3A_239 = tpu.memref_slice %arg4[%mul3A_236] : memref<8192xf32, #tpu.memory_space<hbm>> -> memref<256xf32, #tpu.memory_space<hbm>>
      %dma_wait3A_240 = tpu.memref_slice %arg4[%mul3A_236] : memref<8192xf32, #tpu.memory_space<hbm>> -> memref<256xf32, #tpu.memory_space<hbm>>
      tpu.wait_dma2 semaphore(%run_scoped3A : memref<!tpu.dma_semaphore, #tpu.memory_space<semaphore_mem>>) src(%arg9 : memref<256xf32, #tpu.memory_space<vmem>>) dst(%dma_wait3A_240 : memref<256xf32, #tpu.memory_space<hbm>>)
      tpu.yield
    }) : () -> ()
    return
  }
}

module attributes {stable_mosaic.version = 14 : i64} {
  func.func @_table_kernel(%arg0: i32, %arg1: memref<128x2xf32, #tpu.memory_space<vmem>>, %arg2: memref<2xf32, #tpu.memory_space<vmem>>, %arg3: memref<25600x128xf32, #tpu.memory_space<vmem>>, %arg4: memref<1x25600xi32, #tpu.memory_space<vmem>>) attributes {dimension_semantics = [#tpu.dimension_semantics<arbitrary>], iteration_bounds = array<i64: 4>, scalar_prefetch = 0 : i64, scratch_operands = 0 : i64, tpu.core_type = #tpu.core_type<tc>, window_params = [{pipeline_mode = #tpu.pipeline_mode<synchronous>, transform_indices = @transform_0, window_bounds = array<i64: 128, 2>}, {pipeline_mode = #tpu.pipeline_mode<synchronous>, transform_indices = @transform_1, window_bounds = array<i64: 2>}, {transform_indices = @transform_2, window_bounds = array<i64: 25600, 128>}, {transform_indices = @transform_3, window_bounds = array<i64: 1, 25600>}]} {
    %get3A = arith.constant 0 : index
    %get3A_0 = arith.constant 0 : index
    %get3A_1 = vector.load %arg1[%get3A, %get3A_0] : memref<128x2xf32, #tpu.memory_space<vmem>>, vector<128x2xf32>
    %get3A_2 = arith.constant 0 : index
    %get3A_3 = arith.constant 0 : index
    %get3A_4 = vector.load %arg3[%get3A_2, %get3A_3] : memref<25600x128xf32, #tpu.memory_space<vmem>>, vector<25600x128xf32>
    %dot_general3A = arith.constant dense<0.000000e+00> : vector<2x25600xf32>
    %dot_general3A_5 = tpu.matmul %get3A_1, %get3A_4, %dot_general3A {dimension_numbers = #tpu.dot_dimension_numbers<[0], [1], [1], [0], [0, 1, 1, 0], [], []>, transpose_lhs_hint = false} : vector<128x2xf32>, vector<25600x128xf32>, vector<2x25600xf32> -> vector<2x25600xf32>
    %get3A_6 = arith.constant 0 : index
    %get3A_7 = vector.load %arg2[%get3A_6] : memref<2xf32, #tpu.memory_space<vmem>>, vector<2xf32>
    %reshape3A = vector.shape_cast %get3A_7 : vector<2xf32> to vector<2x1xf32>
    %add3A = vector.broadcast %reshape3A : vector<2x1xf32> to vector<2x25600xf32>
    %add3A_8 = arith.addf %dot_general3A_5, %add3A : vector<2x25600xf32>
    %mul3A = arith.constant 5.000000e-03 : f32
    %mul3A_9 = vector.broadcast %mul3A : f32 to vector<2x25600xf32>
    %mul3A_10 = arith.mulf %add3A_8, %mul3A_9 : vector<2x25600xf32>
    %bitcast_convert_type3A = tpu.bitcast %mul3A_10 : vector<2x25600xf32> -> vector<2x25600xi32>
    %add3A_11 = arith.constant 32768 : i32
    %add3A_12 = vector.broadcast %add3A_11 : i32 to vector<2x25600xi32>
    %add3A_13 = arith.addi %bitcast_convert_type3A, %add3A_12 : vector<2x25600xi32>
    %slice3A = vector.extract_strided_slice %add3A_13 {offsets = [0, 0], sizes = [1, 25600], strides = [1, 1]} : vector<2x25600xi32> to vector<1x25600xi32>
    %and3A = arith.constant -65536 : i32
    %and3A_14 = vector.broadcast %and3A : i32 to vector<1x25600xi32>
    %and3A_15 = arith.andi %slice3A, %and3A_14 : vector<1x25600xi32>
    %slice3A_16 = vector.extract_strided_slice %add3A_13 {offsets = [1, 0], sizes = [1, 25600], strides = [1, 1]} : vector<2x25600xi32> to vector<1x25600xi32>
    %shift_right_logical3A = arith.constant 16 : i32
    %shift_right_logical3A_17 = vector.broadcast %shift_right_logical3A : i32 to vector<1x25600xi32>
    %shift_right_logical3A_18 = arith.shrui %slice3A_16, %shift_right_logical3A_17 : vector<1x25600xi32>
    %or3A = arith.ori %and3A_15, %shift_right_logical3A_18 : vector<1x25600xi32>
    %bitcast_convert_type3A_19 = tpu.bitcast %or3A : vector<1x25600xi32> -> vector<1x25600xi32>
    %swap3A = arith.constant 0 : index
    %swap3A_20 = arith.constant 0 : index
    %swap3A_21 = vector.load %arg4[%swap3A, %swap3A_20] : memref<1x25600xi32, #tpu.memory_space<vmem>>, vector<1x25600xi32>
    tpu.vector_store %arg4[%swap3A, %swap3A_20], %bitcast_convert_type3A_19 {strides = array<i32>} : memref<1x25600xi32, #tpu.memory_space<vmem>>, vector<1x25600xi32>,
    return
  }
  func.func @transform_0(%arg0: i32) -> (i32, i32) {
    %c0_i32 = arith.constant 0 : i32
    %c0_i32_0 = arith.constant 0 : i32
    %c0_i32_1 = arith.constant 0 : i32
    return %c0_i32, %c0_i32_0 : i32, i32
  }
  func.func @transform_1(%arg0: i32) -> i32 {
    %c0_i32 = arith.constant 0 : i32
    %c0_i32_0 = arith.constant 0 : i32
    return %c0_i32 : i32
  }
  func.func @transform_2(%arg0: i32) -> (i32, i32) {
    %c0_i32 = arith.constant 0 : i32
    %c0_i32_0 = arith.constant 0 : i32
    return %arg0, %c0_i32 : i32, i32
  }
  func.func @transform_3(%arg0: i32) -> (i32, i32) {
    %c0_i32 = arith.constant 0 : i32
    %c0_i32_0 = arith.constant 0 : i32
    return %c0_i32, %arg0 : i32, i32
  }
}

</mosaic_0001>

<sc_bundles>
// kernel: kernel.4.cloned.1.call-start
scs
__scs_entry_jumppad:
0x0: {  	(pc) =	sbr.rel $0x88, $3  }
0x1: {  	(tag) =	ssettag $0x0;
	lr =	simm.s32 $0x1  }
0x2: {  	[smem:$0x3F9D] =	sst lr;
	_ =	strace $0xD0000000  }
0x3: {  	_ = 	snop  }
0x4: {  	_ = 	snop  }
0x5: {  	_ = 	snop  }
0x6: {  	_ = 	snop  }
0x7: {  	_ = 	snop  }
__scs_overlays_trampoline_lowered:
0x8: {  	[smem:$0x3FAC] =	sst s0  }
0x9: {  	[smem:$0x3FAD] =	sst s1  }
0xa: {  	[smem:$0x3FAE] =	sst s2  }
0xb: {  	[smem:$0x3FAF] =	sst s3  }
0xc: {  	[smem:$0x3FB0] =	sst s4  }
0xd: {  	[smem:$0x3FB1] =	sst s5  }
0xe: {  	[smem:$0x3FB2] =	sst s6  }
0xf: {  	[smem:$0x3FB3] =	sst s7  }
0x10: {  	[smem:$0x3FB4] =	sst s8  }
0x11: {  	[smem:$0x3FB5] =	sst s9;
	s0 =	simm.s32 @!p0 $0x0  }
0x12: {  	s1 =	sld [smem:$0x3F9B];
	s0 =	simm.s32 @p0 $0x1  }
0x13: {  	[smem:$0x3FB6] =	sst s0;
	s0 =	simm.s32 @!p1 $0x0  }
0x14: {  	s2 =	sld [smem:$0x3F9A];
	s0 =	simm.s32 @p1 $0x1  }
0x15: {  	[smem:$0x3FB7] =	sst s0;
	s0 =	simm.s32 @!p2 $0x0  }
0x16: {  	s3 =	sld [smem:$0x3FDB];
	s0 =	simm.s32 @p2 $0x1  }
0x17: {  	s4 =	simm.s32 $0x1BF5;
	[smem:$0x3FB9] =	sst s0  }
0x18: {  	s0 =	sld [smem:$0x3F9C];
	_ =	swait.ge [sflag:s4], $0x0  }
0x19: {  	s7 =	sld [smem:$0x3F9D]  }
0x1a: {  	s8 =	sadd.s32 $0xFFFFE003, lr  }
0x1b: {  	s9 =	sadd.s32 $0xFFFFFEF7, lr;
	s5 =	simm.s32 $0xFFFFFFFF;
	p2 =	slt.u32 s8, $0xFFFFF086  }
0x1c: {  	p1 =	slt.u32 s9, $0xF7A;
	s5 =	simm.s32 @!p2 $0x0  }
0x1d: {  	s5 =	simm.s32 @p1 $0x1;
	p0 =	seq.s32 s7, s2  }
0x1e: {  	s7 =	smul.u32 @!p0 $0xF7A, s2;
	p2 =	seq.s32 @!p0 s5, $0x0  }
0x1f: {  	s9 =	smul.u32 $0xF7A, s1;
	s8 =	simm.s32 @!p0 $0x1BF5;
	p2 =	por !p2, p0  }
0x20: {  	[sflag:s8] =	ssyncset.s32 @!p0 $0xFFFFF086;
	s6 =	sadd.s32 @!p0 s3, s7;
	s7 =	simm.s32 @!p0 $0x108  }
0x21: {  	s3 =	sadd.s32 s3, s9;
	s6 =	sadd.s32 @!p0 $0x88, s6;
	s7 =	simm.s32 @p2 $0x1082  }
0x22: {  	[simem:s7], [sflag:s8] =	dma.local @!p0 [hbm:s6], $0xF7A  }
0x23: {  	s9 =	sor.u32 $0xD0000000, s2;
	s6 =	simm.s32 $0x108;
	_ =	swait.ge @!p0 [sflag:s8], $0x0  }
0x24: {  	s3 =	sadd.s32 $0x88, s3;
	s6 =	simm.s32 @!p1 $0x1082;
	[sflag:s4] =	ssyncset.s32 $0xFFFFF086  }
0x25: {  	[simem:s6], [sflag:s4] =	dma.local [hbm:s3], $0xF7A  }
0x26: {  	[smem:$0x3F9D] =	sst s1;
	(tag) =	ssettag s2;
	_ =	strace s9  }
0x27: {  	s1 =	sld [smem:$0x3FAD]  }
0x28: {  	s2 =	sld [smem:$0x3FAE]  }
0x29: {  	s4 =	sld [smem:$0x3FB0]  }
0x2a: {  	p0 =	seq.s32 s5, $0x0;
	s5 =	sld [smem:$0x3FB1]  }
0x2b: {  	s6 =	sld [smem:$0x3FB2]  }
0x2c: {  	s7 =	sld [smem:$0x3FB3]  }
0x2d: {  	s3 =	simm.s32 $0x108;
	s8 =	sld [smem:$0x3FB4]  }
0x2e: {  	s3 =	simm.s32 @!p0 $0x1082;
	s9 =	sld [smem:$0x3FB5]  }
0x2f: {  	lr =	sadd.s32 s0, s3;
	s0 =	sld [smem:$0x3FAC]  }
0x30: {  	s3 =	sld [smem:$0x3FAF]  }
0x31: {  	[smem:$0x3FB8] =	sst s10  }
0x32: {  	s10 =	sld [smem:$0x3FB6];
	_ =	sdelay $0x3  }
0x33: {  	p0 =	seq.s32 s10, $0x1;
	s10 =	sld [smem:$0x3FB8];
	_ =	sdelay $0x3  }
0x34: {  	[smem:$0x3FB8] =	sst s10  }
0x35: {  	s10 =	sld [smem:$0x3FB7];
	_ =	sdelay $0x3  }
0x36: {  	p1 =	seq.s32 s10, $0x1;
	s10 =	sld [smem:$0x3FB8];
	_ =	sdelay $0x3  }
0x37: {  	[smem:$0x3FB8] =	sst s10  }
0x38: {  	s10 =	sld [smem:$0x3FB9]  }
0x39: {  	_ = 	snop;
	(pc) =	sbr.ind lr, $3  }
0x3a: {  	_ = 	snop  }
0x3b: {  	_ = 	snop  }
0x3c: {  	p2 =	seq.s32 s10, $0x1;
	s10 =	sld [smem:$0x3FB8]  }
0x3d: {  	_ =	shalt  }
0x3e: {  	_ =	shalt  }
0x3f: {  	_ =	shalt  }
0x40: {  	_ =	shalt  }
0x41: {  	_ =	shalt  }
0x42: {  	_ =	shalt  }
0x43: {  	_ =	shalt  }
0x44: {  	_ =	shalt  }
0x45: {  	_ =	shalt  }
0x46: {  	_ =	shalt  }
0x47: {  	_ =	shalt  }
0x48: {  	_ =	shalt  }
0x49: {  	_ =	shalt  }
0x4a: {  	_ =	shalt  }
0x4b: {  	_ =	shalt  }
0x4c: {  	_ =	shalt  }
0x4d: {  	_ =	shalt  }
0x4e: {  	_ =	shalt  }
0x4f: {  	_ =	shalt  }
0x50: {  	_ =	shalt  }
0x51: {  	_ =	shalt  }
0x52: {  	_ =	shalt  }
0x53: {  	_ =	shalt  }
0x54: {  	_ =	shalt  }
0x55: {  	_ =	shalt  }
0x56: {  	_ =	shalt  }
0x57: {  	_ =	shalt  }
0x58: {  	_ =	shalt  }
0x59: {  	_ =	shalt  }
0x5a: {  	_ =	shalt  }
0x5b: {  	_ =	shalt  }
0x5c: {  	_ =	shalt  }
0x5d: {  	_ =	shalt  }
0x5e: {  	_ =	shalt  }
0x5f: {  	_ =	shalt  }
0x60: {  	_ =	shalt  }
0x61: {  	_ =	shalt  }
0x62: {  	_ =	shalt  }
0x63: {  	_ =	shalt  }
0x64: {  	_ =	shalt  }
0x65: {  	_ =	shalt  }
0x66: {  	_ =	shalt  }
0x67: {  	_ =	shalt  }
0x68: {  	_ =	shalt  }
0x69: {  	_ =	shalt  }
0x6a: {  	_ =	shalt  }
0x6b: {  	_ =	shalt  }
0x6c: {  	_ =	shalt  }
0x6d: {  	_ =	shalt  }
0x6e: {  	_ =	shalt  }
0x6f: {  	_ =	shalt  }
0x70: {  	_ =	shalt  }
0x71: {  	_ =	shalt  }
0x72: {  	_ =	shalt  }
0x73: {  	_ =	shalt  }
0x74: {  	_ =	shalt  }
0x75: {  	_ =	shalt  }
0x76: {  	_ =	shalt  }
0x77: {  	_ =	shalt  }
0x78: {  	_ =	shalt  }
0x79: {  	_ =	shalt  }
0x7a: {  	_ =	shalt  }
0x7b: {  	_ =	shalt  }
0x7c: {  	_ =	shalt  }
0x7d: {  	_ =	shalt  }
0x7e: {  	_ =	shalt  }
0x7f: {  	_ =	shalt  }
0x80: {  	_ =	shalt  }
0x81: {  	_ =	shalt  }
0x82: {  	_ =	shalt  }
0x83: {  	_ =	shalt  }
0x84: {  	_ =	shalt  }
0x85: {  	_ =	shalt  }
0x86: {  	_ =	shalt  }
0x87: {  	_ =	shalt  }
.Lfunc_end0:
.L_simem_size_0:
called_computation_lowered:
.L_overlay_start_0:
0x88: {  	s2 =	sld [smem:$0x3FD9]  }
0x89: {  	s3 =	sld [smem:$0x3FFE];
	_ =	sdelay $0x1  }
0x8a: {  	s1 =	srdreg.scid  }
0x8b: {  	s0 =	sand.u32 $0x1, s1  }
0x8c: {  	s17 =	sshll.u32 s0, $0xA;
	s2 =	sadd.s32 s3, s2  }
0x8d: {  	s2 =	sadd.s32 s2, s17  }
0x8e: {  	[smem:$0x3FC4] =	sst s2  }
0x8f: {  	_ = 	snop  }
0x90: {  	s2 =	sld [smem:$0x3FD0];
	(tm) =	ssettm $0x1  }
0x91: {  	s18 =	sld [smem:$0x3FFB];
	_ =	sdelay $0x3  }
0x92: {  	_ =	strace s18  }
0x93: {  	s3 =	sld [smem:$0x3FFC];
	_ =	sdelay $0x3  }
0x94: {  	_ =	strace s3  }
0x95: {  	s3 =	sld [smem:$0x3FFD];
	_ =	sdelay $0x3  }
0x96: {  	_ =	strace s3  }
0x97: {  	_ =	strace $0x8FFFFFFF  }
0x98: {  	s19 =	sld [smem:$0x3FDB];
	_ =	sdelay $0x1  }
0x99: {  	s4 =	simm.s32 $_scs_section_size  }
0x9a: {  	s5 =	simm.s32 $_size__tile_overlayer_lowered;
	s6 =	simm.s32 $_tile_overlayer_lowered  }
0x9b: {  	s22 =	simm.s32 $0x1BFF;
	s21 =	sshll.u32 s6, $0x1;
	s3 =	sadd.s32 s4, s19  }
0x9c: {  	s7 =	simm.s32 $0x0;
	s20 =	sshll.u32 s5, $0x1;
	s5 =	sadd.s32 s21, s3  }
0x9d: {  	[timem:s7], [sflag:s22] =	dma.local [hbm:s5], s20  }
0x9e: {  	_ =	swait.ge [sflag:s22], s20  }
0x9f: {  	s4 =	ssub.s32 $0x0, s20;
	[sflag:s22] =	ssyncset.done $0x0  }
0xa0: {  	[sflag:s22] =	ssyncadd.s32 s4;
	_ =	sdelay $0x1  }
0xa1: {  	s23 =	simm.s32 $0x1B8B  }
0xa2: {  	_ =	swait.ge [sflag:s23], $0x1  }
0xa3: {  	[sflag:s23] =	ssyncset.done $0x0  }
0xa4: {  	s25 =	simm.s32 $0x1B8E;
	s24 =	sld [smem:$0x3FFE];
	[sflag:s23] =	ssyncadd.s32 $0xFFFFFFFF  }
0xa5: {  	s26 =	simm.s32 $execute0_lowered;
	[smem:$0x3FD2] =	sst s25  }
0xa6: {  	s5 =	sshll.u32 s26, $0x1;
	_ =	strace $0x80000046;
	[dreg:$0x1] =	wrdreg $0xFFFFFFFF  }
0xa7: {  	s28 =	simm.s32 $_size_execute0_lowered;
	s3 =	sadd.s32 s3, s5;
	[dreg:$0x0] =	wrdreg $0x0  }
0xa8: {  	s5 =	sshll.u32 s28, $0x1;
	[dreg:$0x2] =	wrdreg s3  }
0xa9: {  	[dreg:$0x3] =	wrdreg s5  }
0xaa: {  	[dreg:$0x4] =	wrdreg $0xC0  }
0xab: {  	_ =	task [dreg:s7], $0x5FFFF  }
0xac: {  	[dreg:$0x1] =	wrdreg $0xFFFFFFFF  }
0xad: {  	[dreg:$0x0] =	wrdreg $0x60  }
0xae: {  	[dreg:$0x2] =	wrdreg s24  }
0xaf: {  	[dreg:$0x3] =	wrdreg s2  }
0xb0: {  	[dreg:$0x4] =	wrdreg $0x190000  }
0xb1: {  	[dreg:$0x5] =	wrdreg $0x9  }
0xb2: {  	_ =	task.clear_ibuf [dreg:s7], $0x6FFFF;
	_ =	strace $0x90000046  }
0xb3: {  	s29 =	simm.s32 $0x9;
	_ =	strace $0x80000048  }
0xb4: {  	_ =	swait.ge [sflag:s29], $0x1  }
0xb5: {  	[sflag:s29] =	ssyncadd.s32 $0xFFFFFFFF  }
0xb6: {  	_ =	strace $0x90000048  }
0xb7: {  	_ =	sfence  }
0xb8: {  	s30 =	sld [smem:$0x0];
	_ =	sdelay $0x2  }
0xb9: {  	s31 =	sshll.u32 s1, $0xD;
	s1 =	sshrl.u32 s1, $0x2  }
0xba: {  	s3 =	sand.u32 $0x4000, s31;
	s1 =	sadd.s32 s1, s30  }
0xbb: {  	s0 =	sor.u32 s3, s0;
	s1 =	sshll.u32 s1, $0x11  }
0xbc: {  	s0 =	sor.u32 s1, s0  }
0xbd: {  	s0 =	sadd.s32 $0x8F2B, s0  }
0xbe: {  	[sflag:s0] =	ssyncadd.remote.s32 $0x1  }
0xbf: {  	_ =	sfence.sel $0xFFFF  }
0xc0: {  	[dreg:$0x0] =	wrdreg $0xFFFFFFFF;
	(pc) =	sbr.abs _section_cstart, $3  }
0xc1: {  	[dreg:$0x1] =	wrdreg $0xFFFFFFFF  }
0xc2: {  	_ =	task.clear_ibuf [dreg:s7], $0x2FFFF;
	_ =	strace $0x9FFFFFFF  }
0xc3: {  	(tm) =	ssettm $0x7FFFFFFF  }
tec
execute0_lowered:
.L_overlay_start_1:
0x0: {  	(tag) =	ssettag $0x1  }
0x1: {  	s3 =	rddreg [dreg:$0x0]  }
0x2: {  	s0 =	srdreg.scid;
	s12 =	rddreg [dreg:$0x1]  }
0x3: {  	s1 =	rddreg [dreg:$0x2];
	s14 =	stileid.u32;
	s2 =	simm.s32 $0x0  }
0x4: {  	s16 =	simm.s32 $0x1B580;
	s17 =	simm.s32 $0x1;
	s18 =	simm.s32 $0x2  }
0x5: {  	s19 =	simm.s32 $0x1C200;
	s20 =	simm.s32 $0x3;
	s21 =	simm.s32 $0x4  }
0x6: {  	s22 =	simm.s32 $0x0;
	s4 =	sand.u32 $0x1, s0;
	s0 =	rddreg [dreg:$0x3]  }
0x7: {  	[smem:$0x7FF] =	sst s2;
	s6 =	sadd.s32 $0xA00, s3;
	s5 =	sshll.u32 s4, $0x4  }
0x8: {  	v3 =	vlaneseq.u32;
	s3 =	sadd.s32 $0x19A00, s3;
	p0 =	sne.s32 s14, $0x0;
	s13 =	sor.u32 s14, s5  }
0x9: {  	v0 =	vmul.u32 $0xC8, v3;
	_ =	strace $0x80000047;
	s4 =	ssub.s32 $0x2, s4;
	s5 =	smul.u32 $0x6400, s13  }
0xa: {  	s7 =	sshrl.u32 s4, $0x1;
	s14 =	sshrl.u32 @!p0 s1, $0x3;
	s8 =	smul.u32 $0xC80, s13  }
0xb: {  	v3 =	vmul.u32 $0x2, v3;
	v1 =	vor.u32 $0x1, v0;
	v2 =	vor.u32 $0x2, v0;
	s15 =	ssub.s32 s4, s7;
	s13 =	sshll.u32 s13, $0x5;
	s5 =	sshrl.u32 s5, $0x3  }
0xc: {  	v4 =	vor.u32 $0x3, v0;
	v5 =	vor.u32 $0x4, v0;
	v6 =	vor.u32 $0x5, v0;
	s12 =	sadd.s32 s12, s13;
	s13 =	smax.u32 s15, $0x1;
	s11 =	sadd.s32 s6, s5  }
0xd: {  	v7 =	vor.u32 $0x6, v0;
	v8 =	vor.u32 $0x7, v0;
	v9 =	vor.u32 $0x1, v3;
	s15 =	simm.s32 $0x1A900;
	s4 =	sadd.s32 s6, s8;
	s5 =	sadd.s32 $0x190, s11  }
0xe: {  	v10 =	vor.u32 $0x20, v3;
	v11 =	vor.u32 $0x21, v3;
	v12 =	vor.u32 $0x40, v3;
	s6 =	sadd.s32 $0x320, s11;
	s7 =	sadd.s32 $0x4B0, s11;
	s8 =	sadd.s32 $0x640, s11  }
0xf: {  	v13 =	vor.u32 $0x41, v3;
	v14 =	vor.u32 $0x60, v3;
	v15 =	vor.u32 $0x61, v3;
	s9 =	sadd.s32 $0x7D0, s11;
	s10 =	sadd.s32 $0x960, s11;
	s11 =	sadd.s32 $0xAF0, s11  }
.LBB2_1:
0x10: {  	s23 =	simm.s32 @!p0 $0x1C04  }
0x11: {  	[spmem:s14], [sflag:s23] =	dma.local @!p0 [hbm:s3], $0x3200  }
0x12: {  	s23 =	simm.s32 @!p0 $0x4  }
0x13: {  	_ =	swait.ge @!p0 [sflag:s23], $0x3200  }
0x14: {  	[sflag:s23] =	ssyncset.done @!p0 $0x0  }
0x15: {  	[sflag:s23] =	ssyncadd.s32 @!p0 $0xFFFFCE00  }
0x16: {  	[tilespmem:s15], [sflag:$0x2] =	stream.linear.gather [hbm4b:s4+s2], $0xC80, $0x38;
	[tilespmem:$0x1C300] =	vst v63  }
0x17: {  	v16 =	vmov s2  }
0x18: {  	v16 =	vshrl.u32 v16, $0x3;
	[tilespmem:s16], [sflag:$0x3] =	stream.linear.gather [hbm4b:s5+s2], $0xC80, $0x38;
	[tilespmem:$0x1C300] =	vst v63  }
0x19: {  	v16 =	vshll.u32 v16, $0x3;
	[bflag:$0x0] =	sbarrier.arrive $0xFFFF  }
0x1a: {  	v16 =	vbroadcast v16, $0x0;
	[tilespmem:s2], [sflag:$0x1] =	stream.linear.gather [spmem:s1], $0x19000, $0x38;
	[tilespmem:$0x1C300] =	vst v63  }
0x1b: {  	_ =	swait.ge [sflag:s17], $0x19000  }
0x1c: {  	v17 =	vadd.s32 v2, v16;
	[sflag:s17] =	ssyncset.done $0x0  }
0x1d: {  	v18 =	vadd.s32 v0, v16;
	[sflag:s17] =	ssyncadd.s32 $0xFFFE7000  }
0x1e: {  	v19 =	vadd.s32 v1, v16;
	_ =	swait.ge [sflag:s18], $0xC80  }
0x1f: {  	v20 =	vadd.s32 v4, v16;
	[sflag:s18] =	ssyncset.done $0x0  }
0x20: {  	v21 =	vadd.s32 v5, v16;
	[sflag:s18] =	ssyncadd.s32 $0xFFFFF380  }
0x21: {  	v22 =	vadd.s32 v6, v16;
	v17 =	vld.idx.msk [tilespmem:v17+s15+$0x0], $0xffff  }
0x22: {  	v23 =	vadd.s32 v7, v16;
	v18 =	vld.idx.msk [tilespmem:v18+s15+$0x0], $0xffff  }
0x23: {  	v16 =	vadd.s32 v8, v16;
	v19 =	vld.idx.msk [tilespmem:v19+s15+$0x0], $0xffff  }
0x24: {  	v20 =	vld.idx.msk [tilespmem:v20+s15+$0x0], $0xffff  }
0x25: {  	v21 =	vld.idx.msk [tilespmem:v21+s15+$0x0], $0xffff  }
0x26: {  	s23 =	simm.s32 $0x8;
	v24 =	vld.idx.msk [tilespmem:v22+s15+$0x0], $0xffff  }
0x27: {  	v22 =	vmov s23;
	v23 =	vld.idx.msk [tilespmem:v23+s15+$0x0], $0xffff  }
0x28: {  	v25 =	vld.idx.msk [tilespmem:v16+s15+$0x0], $0xffff;
	v22 =	vshrl.u32 v22, $0x3  }
0x29: {  	v16 =	vshll.u32 v22, $0x3;
	v27 =	vld.idx.msk [tilespmem:v17+s2+$0x0], $0xffff  }
0x2a: {  	v16 =	vbroadcast v16, $0x0;
	v26 =	vld.idx.msk [tilespmem:v18+s2+$0x0], $0xffff  }
0x2b: {  	v28 =	vld.idx.msk [tilespmem:v19+s2+$0x0], $0xffff  }
0x2c: {  	v30 =	vadd.s32 v2, v16;
	v31 =	vld.idx.msk [tilespmem:v20+s2+$0x0], $0xffff  }
0x2d: {  	v32 =	vadd.s32 v0, v16;
	v33 =	vadd.s32 v1, v16;
	v34 =	vadd.s32 v4, v16;
	v18 =	vld.idx.msk [tilespmem:v21+s2+$0x0], $0xffff  }
0x2e: {  	v35 =	vadd.s32 v5, v16;
	v22 =	vadd.s32 v7, v16;
	v29 =	vadd.s32 v6, v16;
	v36 =	vld.idx.msk [tilespmem:v24+s2+$0x0], $0xffff  }
0x2f: {  	v17 =	vimm.f32 $0.0e+00;
	v20 =	vadd.s32 v8, v16;
	v16 =	vld.idx.msk [tilespmem:v23+s2+$0x0], $0xffff;
	v19 =	vshll.u32 v27, $0x10  }
0x30: {  	v21 =	vld.idx.msk [tilespmem:v25+s2+$0x0], $0xffff;
	v24 =	vand.u32 $0xFFFF0000, v26;
	v26 =	vshll.u32 v26, $0x10;
	v37 =	vand.u32 $0xFFFF0000, v27  }
0x31: {  	v23 =	vld.idx.msk [tilespmem:v30+s15+$0x0], $0xffff;
	v27 =	vand.u32 $0xFFFF0000, v28;
	v28 =	vshll.u32 v28, $0x10;
	v25 =	vadd.f32 v24, v17  }
0x32: {  	v63 =	vand.u32 $0xFFFF0000, v31;
	v31 =	vshll.u32 v31, $0x10;
	v24 =	vld.idx.msk [tilespmem:v32+s15+$0x0], $0xffff;
	v30 =	vadd.f32 v27, v17  }
0x33: {  	v39 =	vand.u32 $0xFFFF0000, v18;
	v27 =	vld.idx.msk [tilespmem:v33+s15+$0x0], $0xffff;
	v38 =	vadd.f32 v28, v17;
	v37 =	vadd.f32 v37, v25  }
0x34: {  	v32 =	vand.u32 $0xFFFF0000, v16;
	v25 =	vld.idx.msk [tilespmem:v34+s15+$0x0], $0xffff;
	v33 =	vadd.f32 v63, v30;
	v34 =	vand.u32 $0xFFFF0000, v36  }
0x35: {  	s24 =	simm.s32 $0x4;
	v28 =	vld.idx.msk [tilespmem:v35+s15+$0x0], $0xffff;
	v30 =	vshll.u32 v36, $0x10;
	v35 =	vadd.f32 v31, v38;
	v31 =	vadd.f32 v39, v37  }
.LBB2_2:
0x36: {  	s24 =	sadd.s32 $0x4, s24;
	v29 =	vld.idx.msk [tilespmem:v29+s15+$0x0], $0xffff;
	s23 =	sadd.s32 $0x8, s23;
	v18 =	vshll.u32 v18, $0x10;
	v33 =	vadd.f32 v34, v33;
	v34 =	vshll.u32 v21, $0x10  }
0x37: {  	v17 =	vadd.f32 v26, v17;
	v36 =	vmov s23;
	p1 =	slt.u32 s24, $0x60;
	v37 =	vld.idx.msk [tilespmem:v22+s15+$0x0], $0xffff;
	v22 =	vadd.f32 v30, v35  }
0x38: {  	v31 =	vadd.f32 v32, v31;
	v26 =	vshrl.u32 v36, $0x3;
	v30 =	vld.idx.msk [tilespmem:v20+s15+$0x0], $0xffff;
	v20 =	vand.u32 $0xFFFF0000, v21  }
0x39: {  	v17 =	vadd.f32 v19, v17;
	v21 =	vshll.u32 v26, $0x3;
	v23 =	vld.idx.msk [tilespmem:v23+s2+$0x0], $0xffff;
	v32 =	vadd.f32 v34, v22  }
0x3a: {  	v33 =	vadd.f32 v20, v33;
	v19 =	vbroadcast v21, $0x0;
	v21 =	vld.idx.msk [tilespmem:v24+s2+$0x0], $0xffff  }
0x3b: {  	v16 =	vshll.u32 v16, $0x10;
	v17 =	vadd.f32 v18, v17;
	v24 =	vld.idx.msk [tilespmem:v27+s2+$0x0], $0xffff  }
0x3c: {  	v27 =	vadd.s32 v0, v19;
	v34 =	vadd.s32 v1, v19;
	v35 =	vadd.s32 v2, v19;
	v25 =	vld.idx.msk [tilespmem:v25+s2+$0x0], $0xffff  }
0x3d: {  	v36 =	vadd.s32 v4, v19;
	v38 =	vadd.s32 v5, v19;
	v17 =	vadd.f32 v16, v17;
	v18 =	vld.idx.msk [tilespmem:v28+s2+$0x0], $0xffff  }
0x3e: {  	v22 =	vadd.s32 v7, v19;
	v20 =	vadd.s32 v8, v19;
	v28 =	vld.idx.msk [tilespmem:v29+s2+$0x0], $0xffff  }
0x3f: {  	v29 =	vadd.s32 v6, v19;
	v19 =	vshll.u32 v23, $0x10;
	v16 =	vld.idx.msk [tilespmem:v37+s2+$0x0], $0xffff  }
0x40: {  	v39 =	vand.u32 $0xFFFF0000, v23;
	v37 =	vand.u32 $0xFFFF0000, v21;
	v26 =	vshll.u32 v21, $0x10;
	v21 =	vld.idx.msk [tilespmem:v30+s2+$0x0], $0xffff  }
.Ltmp0:
0x41: {  	v30 =	vadd.f32 v37, v31;
	v31 =	vand.u32 $0xFFFF0000, v24;
	v23 =	vld.idx.msk [tilespmem:v35+s15+$0x0], $0xffff;
	v35 =	vshll.u32 v24, $0x10;
	(pc) =	sbr.rel @p1 .LBB2_2-.Ltmp0, $4  }
0x42: {  	v31 =	vadd.f32 v31, v33;
	v33 =	vand.u32 $0xFFFF0000, v25;
	v37 =	vshll.u32 v25, $0x10;
	v24 =	vld.idx.msk [tilespmem:v27+s15+$0x0], $0xffff  }
0x43: {  	v32 =	vadd.f32 v35, v32;
	v39 =	vadd.f32 v39, v30;
	v40 =	vand.u32 $0xFFFF0000, v18;
	v27 =	vld.idx.msk [tilespmem:v34+s15+$0x0], $0xffff  }
0x44: {  	v33 =	vadd.f32 v33, v31;
	v34 =	vand.u32 $0xFFFF0000, v28;
	v30 =	vshll.u32 v28, $0x10;
	v25 =	vld.idx.msk [tilespmem:v36+s15+$0x0], $0xffff  }
0x45: {  	v35 =	vadd.f32 v37, v32;
	v31 =	vadd.f32 v40, v39;
	v32 =	vand.u32 $0xFFFF0000, v16;
	v28 =	vld.idx.msk [tilespmem:v38+s15+$0x0], $0xffff  }
0x46: {  	_ =	sdelay $0x3  }
0x47: {  	v29 =	vld.idx.msk [tilespmem:v29+s15+$0x0], $0xffff  }
0x48: {  	v22 =	vld.idx.msk [tilespmem:v22+s15+$0x0], $0xffff  }
0x49: {  	v17 =	vadd.f32 v26, v17;
	v20 =	vld.idx.msk [tilespmem:v20+s15+$0x0], $0xffff  }
0x4a: {  	v23 =	vld.idx.msk [tilespmem:v23+s2+$0x0], $0xffff  }
0x4b: {  	v17 =	vadd.f32 v19, v17;
	v19 =	vld.idx.msk [tilespmem:v24+s2+$0x0], $0xffff  }
0x4c: {  	v18 =	vshll.u32 v18, $0x10;
	v16 =	vshll.u32 v16, $0x10;
	v26 =	vadd.f32 v30, v35;
	v27 =	vld.idx.msk [tilespmem:v27+s2+$0x0], $0xffff  }
0x4d: {  	v30 =	vshll.u32 v21, $0x10;
	v24 =	vadd.f32 v34, v33;
	v17 =	vadd.f32 v18, v17;
	v18 =	vld.idx.msk [tilespmem:v25+s2+$0x0], $0xffff  }
0x4e: {  	v31 =	vadd.f32 v32, v31;
	v21 =	vand.u32 $0xFFFF0000, v21;
	v25 =	vadd.f32 v30, v26  }
0x4f: {  	v26 =	vld.idx.msk [tilespmem:v28+s2+$0x0], $0xffff;
	v21 =	vadd.f32 v21, v24;
	v24 =	vshll.u32 v23, $0x10;
	v23 =	vand.u32 $0xFFFF0000, v23  }
0x50: {  	v16 =	vadd.f32 v16, v17;
	v28 =	vand.u32 $0xFFFF0000, v19;
	v19 =	vshll.u32 v19, $0x10;
	v17 =	vld.idx.msk [tilespmem:v29+s2+$0x0], $0xffff  }
0x51: {  	v22 =	vld.idx.msk [tilespmem:v22+s2+$0x0], $0xffff;
	v28 =	vadd.f32 v28, v31;
	v29 =	vand.u32 $0xFFFF0000, v27;
	v27 =	vshll.u32 v27, $0x10  }
0x52: {  	v20 =	vld.idx.msk [tilespmem:v20+s2+$0x0], $0xffff;
	v16 =	vadd.f32 v19, v16;
	v21 =	vadd.f32 v29, v21;
	v29 =	vand.u32 $0xFFFF0000, v18  }
0x53: {  	v18 =	vshll.u32 v18, $0x10;
	v25 =	vadd.f32 v27, v25;
	v23 =	vadd.f32 v23, v28  }
0x54: {  	v27 =	vand.u32 $0xFFFF0000, v26;
	v16 =	vadd.f32 v24, v16;
	v21 =	vadd.f32 v29, v21  }
0x55: {  	v18 =	vadd.f32 v18, v25;
	v25 =	vshll.u32 v26, $0x10;
	v19 =	vadd.f32 v27, v23  }
0x56: {  	v16 =	vadd.f32 v25, v16;
	v28 =	vand.u32 $0xFFFF0000, v17;
	v17 =	vshll.u32 v17, $0x10  }
0x57: {  	v23 =	vand.u32 $0xFFFF0000, v22;
	v24 =	vshll.u32 v20, $0x10;
	v21 =	vadd.f32 v28, v21  }
0x58: {  	s23 =	simm.s32 $0x0;
	v17 =	vadd.f32 v17, v18;
	v18 =	vadd.f32 v23, v19;
	v19 =	vand.u32 $0xFFFF0000, v20  }
0x59: {  	v20 =	vshll.u32 v22, $0x10;
	v19 =	vadd.f32 v19, v21;
	v21 =	vmov s23  }
0x5a: {  	v16 =	vadd.f32 v20, v16;
	v17 =	vadd.f32 v24, v17;
	v20 =	vshrl.u32 v21, $0x3  }
0x5b: {  	v18 =	vadd.f32 v19, v18;
	v19 =	vshll.u32 v20, $0x3  }
0x5c: {  	v16 =	vadd.f32 v17, v16;
	v17 =	vbroadcast v19, $0x0  }
0x5d: {  	[tilespmem:v3+s19+$0x0] =	vst.idx.msk $0xffff, v18  }
0x5e: {  	[tilespmem:v9+s19+$0x0] =	vst.idx.msk $0xffff, v16;
	v16 =	vadd.s32 v2, v17  }
0x5f: {  	v18 =	vadd.s32 v0, v17;
	[tilespmem:s15], [sflag:$0x2] =	stream.linear.gather [hbm4b:s6+s23], $0xC80, $0x38;
	[tilespmem:$0x1C300] =	vst v63  }
0x60: {  	v19 =	vadd.s32 v1, v17;
	_ =	swait.ge [sflag:s20], $0xC80  }
0x61: {  	v20 =	vadd.s32 v4, v17;
	[sflag:s20] =	ssyncset.done $0x0  }
0x62: {  	v21 =	vadd.s32 v5, v17;
	[sflag:s20] =	ssyncadd.s32 $0xFFFFF380  }
0x63: {  	v22 =	vadd.s32 v6, v17;
	v16 =	vld.idx.msk [tilespmem:v16+s16+$0x0], $0xffff  }
0x64: {  	v23 =	vadd.s32 v7, v17;
	v18 =	vld.idx.msk [tilespmem:v18+s16+$0x0], $0xffff  }
0x65: {  	v17 =	vadd.s32 v8, v17;
	v19 =	vld.idx.msk [tilespmem:v19+s16+$0x0], $0xffff  }
0x66: {  	v20 =	vld.idx.msk [tilespmem:v20+s16+$0x0], $0xffff  }
0x67: {  	v21 =	vld.idx.msk [tilespmem:v21+s16+$0x0], $0xffff  }
0x68: {  	s23 =	simm.s32 $0x8;
	v24 =	vld.idx.msk [tilespmem:v22+s16+$0x0], $0xffff  }
0x69: {  	v22 =	vmov s23;
	v23 =	vld.idx.msk [tilespmem:v23+s16+$0x0], $0xffff  }
0x6a: {  	v25 =	vld.idx.msk [tilespmem:v17+s16+$0x0], $0xffff;
	v22 =	vshrl.u32 v22, $0x3  }
0x6b: {  	v17 =	vshll.u32 v22, $0x3;
	v27 =	vld.idx.msk [tilespmem:v16+s2+$0x0], $0xffff  }
0x6c: {  	v16 =	vbroadcast v17, $0x0;
	v26 =	vld.idx.msk [tilespmem:v18+s2+$0x0], $0xffff  }
0x6d: {  	v28 =	vld.idx.msk [tilespmem:v19+s2+$0x0], $0xffff  }
0x6e: {  	v31 =	vld.idx.msk [tilespmem:v20+s2+$0x0], $0xffff;
	v30 =	vadd.s32 v2, v16  }
0x6f: {  	v17 =	vimm.f32 $0.0e+00;
	v18 =	vld.idx.msk [tilespmem:v21+s2+$0x0], $0xffff;
	v59 =	vadd.s32 v0, v16;
	v60 =	vadd.s32 v1, v16  }
0x70: {  	v36 =	vld.idx.msk [tilespmem:v24+s2+$0x0], $0xffff;
	v61 =	vadd.s32 v4, v16;
	v62 =	vadd.s32 v5, v16;
	v22 =	vadd.s32 v7, v16  }
0x71: {  	v20 =	vadd.s32 v8, v16;
	v29 =	vadd.s32 v6, v16;
	v16 =	vld.idx.msk [tilespmem:v23+s2+$0x0], $0xffff;
	v19 =	vshll.u32 v27, $0x10  }
0x72: {  	v21 =	vld.idx.msk [tilespmem:v25+s2+$0x0], $0xffff;
	v24 =	vand.u32 $0xFFFF0000, v26;
	v26 =	vshll.u32 v26, $0x10;
	v37 =	vand.u32 $0xFFFF0000, v27  }
0x73: {  	v27 =	vand.u32 $0xFFFF0000, v28;
	v28 =	vshll.u32 v28, $0x10;
	v25 =	vadd.f32 v24, v17;
	v23 =	vld.idx.msk [tilespmem:v30+s16+$0x0], $0xffff  }
0x74: {  	v63 =	vand.u32 $0xFFFF0000, v31;
	v31 =	vshll.u32 v31, $0x10;
	v24 =	vld.idx.msk [tilespmem:v59+s16+$0x0], $0xffff;
	v30 =	vadd.f32 v27, v17  }
0x75: {  	v39 =	vand.u32 $0xFFFF0000, v18;
	v38 =	vadd.f32 v28, v17;
	v27 =	vld.idx.msk [tilespmem:v60+s16+$0x0], $0xffff;
	v37 =	vadd.f32 v37, v25  }
0x76: {  	v34 =	vand.u32 $0xFFFF0000, v36;
	v32 =	vand.u32 $0xFFFF0000, v16;
	v25 =	vld.idx.msk [tilespmem:v61+s16+$0x0], $0xffff;
	v33 =	vadd.f32 v63, v30  }
0x77: {  	s24 =	simm.s32 $0x4;
	v28 =	vld.idx.msk [tilespmem:v62+s16+$0x0], $0xffff;
	v35 =	vadd.f32 v31, v38;
	v30 =	vshll.u32 v36, $0x10;
	v31 =	vadd.f32 v39, v37  }
.LBB2_4:
0x78: {  	s24 =	sadd.s32 $0x4, s24;
	v29 =	vld.idx.msk [tilespmem:v29+s16+$0x0], $0xffff;
	s23 =	sadd.s32 $0x8, s23;
	v18 =	vshll.u32 v18, $0x10;
	v33 =	vadd.f32 v34, v33;
	v34 =	vshll.u32 v21, $0x10  }
0x79: {  	v17 =	vadd.f32 v26, v17;
	v36 =	vmov s23;
	p1 =	slt.u32 s24, $0x60;
	v37 =	vld.idx.msk [tilespmem:v22+s16+$0x0], $0xffff;
	v22 =	vadd.f32 v30, v35  }
0x7a: {  	v31 =	vadd.f32 v32, v31;
	v26 =	vshrl.u32 v36, $0x3;
	v30 =	vld.idx.msk [tilespmem:v20+s16+$0x0], $0xffff;
	v20 =	vand.u32 $0xFFFF0000, v21  }
0x7b: {  	v17 =	vadd.f32 v19, v17;
	v21 =	vshll.u32 v26, $0x3;
	v23 =	vld.idx.msk [tilespmem:v23+s2+$0x0], $0xffff;
	v32 =	vadd.f32 v34, v22  }
0x7c: {  	v33 =	vadd.f32 v20, v33;
	v19 =	vbroadcast v21, $0x0;
	v21 =	vld.idx.msk [tilespmem:v24+s2+$0x0], $0xffff  }
0x7d: {  	v16 =	vshll.u32 v16, $0x10;
	v17 =	vadd.f32 v18, v17;
	v24 =	vld.idx.msk [tilespmem:v27+s2+$0x0], $0xffff  }
0x7e: {  	v27 =	vadd.s32 v0, v19;
	v34 =	vadd.s32 v1, v19;
	v35 =	vadd.s32 v2, v19;
	v25 =	vld.idx.msk [tilespmem:v25+s2+$0x0], $0xffff  }
0x7f: {  	v36 =	vadd.s32 v4, v19;
	v38 =	vadd.s32 v5, v19;
	v17 =	vadd.f32 v16, v17;
	v18 =	vld.idx.msk [tilespmem:v28+s2+$0x0], $0xffff  }
0x80: {  	v22 =	vadd.s32 v7, v19;
	v20 =	vadd.s32 v8, v19;
	v28 =	vld.idx.msk [tilespmem:v29+s2+$0x0], $0xffff  }
0x81: {  	v29 =	vadd.s32 v6, v19;
	v19 =	vshll.u32 v23, $0x10;
	v16 =	vld.idx.msk [tilespmem:v37+s2+$0x0], $0xffff  }
0x82: {  	v39 =	vand.u32 $0xFFFF0000, v23;
	v37 =	vand.u32 $0xFFFF0000, v21;
	v26 =	vshll.u32 v21, $0x10;
	v21 =	vld.idx.msk [tilespmem:v30+s2+$0x0], $0xffff  }
.Ltmp1:
0x83: {  	v30 =	vadd.f32 v37, v31;
	v31 =	vand.u32 $0xFFFF0000, v24;
	v23 =	vld.idx.msk [tilespmem:v35+s16+$0x0], $0xffff;
	v35 =	vshll.u32 v24, $0x10;
	(pc) =	sbr.rel @p1 .LBB2_4-.Ltmp1, $4  }
0x84: {  	v31 =	vadd.f32 v31, v33;
	v33 =	vand.u32 $0xFFFF0000, v25;
	v37 =	vshll.u32 v25, $0x10;
	v24 =	vld.idx.msk [tilespmem:v27+s16+$0x0], $0xffff  }
0x85: {  	v32 =	vadd.f32 v35, v32;
	v39 =	vadd.f32 v39, v30;
	v40 =	vand.u32 $0xFFFF0000, v18;
	v27 =	vld.idx.msk [tilespmem:v34+s16+$0x0], $0xffff  }
0x86: {  	v33 =	vadd.f32 v33, v31;
	v34 =	vand.u32 $0xFFFF0000, v28;
	v30 =	vshll.u32 v28, $0x10;
	v25 =	vld.idx.msk [tilespmem:v36+s16+$0x0], $0xffff  }
0x87: {  	v35 =	vadd.f32 v37, v32;
	v31 =	vadd.f32 v40, v39;
	v32 =	vand.u32 $0xFFFF0000, v16;
	v28 =	vld.idx.msk [tilespmem:v38+s16+$0x0], $0xffff  }
0x88: {  	_ =	sdelay $0x3  }
0x89: {  	v29 =	vld.idx.msk [tilespmem:v29+s16+$0x0], $0xffff  }
0x8a: {  	v22 =	vld.idx.msk [tilespmem:v22+s16+$0x0], $0xffff  }
0x8b: {  	v17 =	vadd.f32 v26, v17;
	v20 =	vld.idx.msk [tilespmem:v20+s16+$0x0], $0xffff  }
0x8c: {  	v23 =	vld.idx.msk [tilespmem:v23+s2+$0x0], $0xffff  }
0x8d: {  	v17 =	vadd.f32 v19, v17;
	v19 =	vld.idx.msk [tilespmem:v24+s2+$0x0], $0xffff  }
0x8e: {  	v18 =	vshll.u32 v18, $0x10;
	v16 =	vshll.u32 v16, $0x10;
	v26 =	vadd.f32 v30, v35;
	v27 =	vld.idx.msk [tilespmem:v27+s2+$0x0], $0xffff  }
0x8f: {  	v30 =	vshll.u32 v21, $0x10;
	v24 =	vadd.f32 v34, v33;
	v17 =	vadd.f32 v18, v17;
	v18 =	vld.idx.msk [tilespmem:v25+s2+$0x0], $0xffff  }
0x90: {  	v31 =	vadd.f32 v32, v31;
	v21 =	vand.u32 $0xFFFF0000, v21;
	v25 =	vadd.f32 v30, v26  }
0x91: {  	v26 =	vld.idx.msk [tilespmem:v28+s2+$0x0], $0xffff;
	v21 =	vadd.f32 v21, v24;
	v24 =	vshll.u32 v23, $0x10;
	v23 =	vand.u32 $0xFFFF0000, v23  }
0x92: {  	v16 =	vadd.f32 v16, v17;
	v28 =	vand.u32 $0xFFFF0000, v19;
	v19 =	vshll.u32 v19, $0x10;
	v17 =	vld.idx.msk [tilespmem:v29+s2+$0x0], $0xffff  }
0x93: {  	v22 =	vld.idx.msk [tilespmem:v22+s2+$0x0], $0xffff;
	v28 =	vadd.f32 v28, v31;
	v29 =	vand.u32 $0xFFFF0000, v27;
	v27 =	vshll.u32 v27, $0x10  }
0x94: {  	v20 =	vld.idx.msk [tilespmem:v20+s2+$0x0], $0xffff;
	v16 =	vadd.f32 v19, v16;
	v21 =	vadd.f32 v29, v21;
	v29 =	vand.u32 $0xFFFF0000, v18  }
0x95: {  	v18 =	vshll.u32 v18, $0x10;
	v25 =	vadd.f32 v27, v25;
	v23 =	vadd.f32 v23, v28  }
0x96: {  	v27 =	vand.u32 $0xFFFF0000, v26;
	v16 =	vadd.f32 v24, v16;
	v21 =	vadd.f32 v29, v21  }
0x97: {  	v18 =	vadd.f32 v18, v25;
	v25 =	vshll.u32 v26, $0x10;
	v19 =	vadd.f32 v27, v23  }
0x98: {  	v16 =	vadd.f32 v25, v16;
	v28 =	vand.u32 $0xFFFF0000, v17;
	v17 =	vshll.u32 v17, $0x10  }
0x99: {  	v23 =	vand.u32 $0xFFFF0000, v22;
	v24 =	vshll.u32 v20, $0x10;
	v21 =	vadd.f32 v28, v21  }
0x9a: {  	s23 =	simm.s32 $0x0;
	v17 =	vadd.f32 v17, v18;
	v18 =	vadd.f32 v23, v19;
	v19 =	vand.u32 $0xFFFF0000, v20  }
0x9b: {  	v20 =	vshll.u32 v22, $0x10;
	v19 =	vadd.f32 v19, v21;
	v21 =	vmov s23  }
0x9c: {  	v16 =	vadd.f32 v20, v16;
	v17 =	vadd.f32 v24, v17;
	v20 =	vshrl.u32 v21, $0x3  }
0x9d: {  	v18 =	vadd.f32 v19, v18;
	v19 =	vshll.u32 v20, $0x3  }
0x9e: {  	v16 =	vadd.f32 v17, v16;
	v17 =	vbroadcast v19, $0x0  }
0x9f: {  	[tilespmem:v10+s19+$0x0] =	vst.idx.msk $0xffff, v18  }
0xa0: {  	[tilespmem:v11+s19+$0x0] =	vst.idx.msk $0xffff, v16;
	v16 =	vadd.s32 v2, v17  }
0xa1: {  	v18 =	vadd.s32 v0, v17;
	[tilespmem:s16], [sflag:$0x3] =	stream.linear.gather [hbm4b:s7+s23], $0xC80, $0x38;
	[tilespmem:$0x1C300] =	vst v63  }
0xa2: {  	v19 =	vadd.s32 v1, v17;
	_ =	swait.ge [sflag:s18], $0xC80  }
0xa3: {  	v20 =	vadd.s32 v4, v17;
	[sflag:s18] =	ssyncset.done $0x0  }
0xa4: {  	v21 =	vadd.s32 v5, v17;
	[sflag:s18] =	ssyncadd.s32 $0xFFFFF380  }
0xa5: {  	v22 =	vadd.s32 v6, v17;
	v16 =	vld.idx.msk [tilespmem:v16+s15+$0x0], $0xffff  }
0xa6: {  	v23 =	vadd.s32 v7, v17;
	v18 =	vld.idx.msk [tilespmem:v18+s15+$0x0], $0xffff  }
0xa7: {  	v17 =	vadd.s32 v8, v17;
	v19 =	vld.idx.msk [tilespmem:v19+s15+$0x0], $0xffff  }
0xa8: {  	v20 =	vld.idx.msk [tilespmem:v20+s15+$0x0], $0xffff  }
0xa9: {  	v21 =	vld.idx.msk [tilespmem:v21+s15+$0x0], $0xffff  }
0xaa: {  	s23 =	simm.s32 $0x8;
	v24 =	vld.idx.msk [tilespmem:v22+s15+$0x0], $0xffff  }
0xab: {  	v22 =	vmov s23;
	v23 =	vld.idx.msk [tilespmem:v23+s15+$0x0], $0xffff  }
0xac: {  	v25 =	vld.idx.msk [tilespmem:v17+s15+$0x0], $0xffff;
	v22 =	vshrl.u32 v22, $0x3  }
0xad: {  	v17 =	vshll.u32 v22, $0x3;
	v27 =	vld.idx.msk [tilespmem:v16+s2+$0x0], $0xffff  }
0xae: {  	v16 =	vbroadcast v17, $0x0;
	v26 =	vld.idx.msk [tilespmem:v18+s2+$0x0], $0xffff  }
0xaf: {  	v28 =	vld.idx.msk [tilespmem:v19+s2+$0x0], $0xffff  }
0xb0: {  	v31 =	vld.idx.msk [tilespmem:v20+s2+$0x0], $0xffff;
	v30 =	vadd.s32 v2, v16  }
0xb1: {  	v17 =	vimm.f32 $0.0e+00;
	v18 =	vld.idx.msk [tilespmem:v21+s2+$0x0], $0xffff;
	v59 =	vadd.s32 v0, v16;
	v60 =	vadd.s32 v1, v16  }
0xb2: {  	v36 =	vld.idx.msk [tilespmem:v24+s2+$0x0], $0xffff;
	v61 =	vadd.s32 v4, v16;
	v62 =	vadd.s32 v5, v16;
	v22 =	vadd.s32 v7, v16  }
0xb3: {  	v20 =	vadd.s32 v8, v16;
	v29 =	vadd.s32 v6, v16;
	v16 =	vld.idx.msk [tilespmem:v23+s2+$0x0], $0xffff;
	v19 =	vshll.u32 v27, $0x10  }
0xb4: {  	v21 =	vld.idx.msk [tilespmem:v25+s2+$0x0], $0xffff;
	v24 =	vand.u32 $0xFFFF0000, v26;
	v26 =	vshll.u32 v26, $0x10;
	v37 =	vand.u32 $0xFFFF0000, v27  }
0xb5: {  	v27 =	vand.u32 $0xFFFF0000, v28;
	v28 =	vshll.u32 v28, $0x10;
	v25 =	vadd.f32 v24, v17;
	v23 =	vld.idx.msk [tilespmem:v30+s15+$0x0], $0xffff  }
0xb6: {  	v63 =	vand.u32 $0xFFFF0000, v31;
	v31 =	vshll.u32 v31, $0x10;
	v24 =	vld.idx.msk [tilespmem:v59+s15+$0x0], $0xffff;
	v30 =	vadd.f32 v27, v17  }
0xb7: {  	v39 =	vand.u32 $0xFFFF0000, v18;
	v38 =	vadd.f32 v28, v17;
	v27 =	vld.idx.msk [tilespmem:v60+s15+$0x0], $0xffff;
	v37 =	vadd.f32 v37, v25  }
0xb8: {  	v34 =	vand.u32 $0xFFFF0000, v36;
	v32 =	vand.u32 $0xFFFF0000, v16;
	v25 =	vld.idx.msk [tilespmem:v61+s15+$0x0], $0xffff;
	v33 =	vadd.f32 v63, v30  }
0xb9: {  	s24 =	simm.s32 $0x4;
	v28 =	vld.idx.msk [tilespmem:v62+s15+$0x0], $0xffff;
	v35 =	vadd.f32 v31, v38;
	v30 =	vshll.u32 v36, $0x10;
	v31 =	vadd.f32 v39, v37  }
.LBB2_6:
0xba: {  	s24 =	sadd.s32 $0x4, s24;
	v29 =	vld.idx.msk [tilespmem:v29+s15+$0x0], $0xffff;
	s23 =	sadd.s32 $0x8, s23;
	v18 =	vshll.u32 v18, $0x10;
	v33 =	vadd.f32 v34, v33;
	v34 =	vshll.u32 v21, $0x10  }
0xbb: {  	v17 =	vadd.f32 v26, v17;
	v36 =	vmov s23;
	p1 =	slt.u32 s24, $0x60;
	v37 =	vld.idx.msk [tilespmem:v22+s15+$0x0], $0xffff;
	v22 =	vadd.f32 v30, v35  }
0xbc: {  	v31 =	vadd.f32 v32, v31;
	v26 =	vshrl.u32 v36, $0x3;
	v30 =	vld.idx.msk [tilespmem:v20+s15+$0x0], $0xffff;
	v20 =	vand.u32 $0xFFFF0000, v21  }
0xbd: {  	v17 =	vadd.f32 v19, v17;
	v21 =	vshll.u32 v26, $0x3;
	v23 =	vld.idx.msk [tilespmem:v23+s2+$0x0], $0xffff;
	v32 =	vadd.f32 v34, v22  }
0xbe: {  	v33 =	vadd.f32 v20, v33;
	v19 =	vbroadcast v21, $0x0;
	v21 =	vld.idx.msk [tilespmem:v24+s2+$0x0], $0xffff  }
0xbf: {  	v16 =	vshll.u32 v16, $0x10;
	v17 =	vadd.f32 v18, v17;
	v24 =	vld.idx.msk [tilespmem:v27+s2+$0x0], $0xffff  }
0xc0: {  	v27 =	vadd.s32 v0, v19;
	v34 =	vadd.s32 v1, v19;
	v35 =	vadd.s32 v2, v19;
	v25 =	vld.idx.msk [tilespmem:v25+s2+$0x0], $0xffff  }
0xc1: {  	v36 =	vadd.s32 v4, v19;
	v38 =	vadd.s32 v5, v19;
	v17 =	vadd.f32 v16, v17;
	v18 =	vld.idx.msk [tilespmem:v28+s2+$0x0], $0xffff  }
0xc2: {  	v22 =	vadd.s32 v7, v19;
	v20 =	vadd.s32 v8, v19;
	v28 =	vld.idx.msk [tilespmem:v29+s2+$0x0], $0xffff  }
0xc3: {  	v29 =	vadd.s32 v6, v19;
	v19 =	vshll.u32 v23, $0x10;
	v16 =	vld.idx.msk [tilespmem:v37+s2+$0x0], $0xffff  }
0xc4: {  	v39 =	vand.u32 $0xFFFF0000, v23;
	v37 =	vand.u32 $0xFFFF0000, v21;
	v26 =	vshll.u32 v21, $0x10;
	v21 =	vld.idx.msk [tilespmem:v30+s2+$0x0], $0xffff  }
.Ltmp2:
0xc5: {  	v30 =	vadd.f32 v37, v31;
	v31 =	vand.u32 $0xFFFF0000, v24;
	v23 =	vld.idx.msk [tilespmem:v35+s15+$0x0], $0xffff;
	v35 =	vshll.u32 v24, $0x10;
	(pc) =	sbr.rel @p1 .LBB2_6-.Ltmp2, $4  }
0xc6: {  	v31 =	vadd.f32 v31, v33;
	v33 =	vand.u32 $0xFFFF0000, v25;
	v37 =	vshll.u32 v25, $0x10;
	v24 =	vld.idx.msk [tilespmem:v27+s15+$0x0], $0xffff  }
0xc7: {  	v32 =	vadd.f32 v35, v32;
	v39 =	vadd.f32 v39, v30;
	v40 =	vand.u32 $0xFFFF0000, v18;
	v27 =	vld.idx.msk [tilespmem:v34+s15+$0x0], $0xffff  }
0xc8: {  	v33 =	vadd.f32 v33, v31;
	v34 =	vand.u32 $0xFFFF0000, v28;
	v30 =	vshll.u32 v28, $0x10;
	v25 =	vld.idx.msk [tilespmem:v36+s15+$0x0], $0xffff  }
0xc9: {  	v35 =	vadd.f32 v37, v32;
	v31 =	vadd.f32 v40, v39;
	v32 =	vand.u32 $0xFFFF0000, v16;
	v28 =	vld.idx.msk [tilespmem:v38+s15+$0x0], $0xffff  }
0xca: {  	_ =	sdelay $0x3  }
0xcb: {  	v29 =	vld.idx.msk [tilespmem:v29+s15+$0x0], $0xffff  }
0xcc: {  	v22 =	vld.idx.msk [tilespmem:v22+s15+$0x0], $0xffff  }
0xcd: {  	v17 =	vadd.f32 v26, v17;
	v20 =	vld.idx.msk [tilespmem:v20+s15+$0x0], $0xffff  }
0xce: {  	v23 =	vld.idx.msk [tilespmem:v23+s2+$0x0], $0xffff  }
0xcf: {  	v17 =	vadd.f32 v19, v17;
	v19 =	vld.idx.msk [tilespmem:v24+s2+$0x0], $0xffff  }
0xd0: {  	v18 =	vshll.u32 v18, $0x10;
	v16 =	vshll.u32 v16, $0x10;
	v26 =	vadd.f32 v30, v35;
	v27 =	vld.idx.msk [tilespmem:v27+s2+$0x0], $0xffff  }
0xd1: {  	v30 =	vshll.u32 v21, $0x10;
	v24 =	vadd.f32 v34, v33;
	v17 =	vadd.f32 v18, v17;
	v18 =	vld.idx.msk [tilespmem:v25+s2+$0x0], $0xffff  }
0xd2: {  	v31 =	vadd.f32 v32, v31;
	v21 =	vand.u32 $0xFFFF0000, v21;
	v25 =	vadd.f32 v30, v26  }
0xd3: {  	v26 =	vld.idx.msk [tilespmem:v28+s2+$0x0], $0xffff;
	v21 =	vadd.f32 v21, v24;
	v24 =	vshll.u32 v23, $0x10;
	v23 =	vand.u32 $0xFFFF0000, v23  }
0xd4: {  	v16 =	vadd.f32 v16, v17;
	v28 =	vand.u32 $0xFFFF0000, v19;
	v19 =	vshll.u32 v19, $0x10;
	v17 =	vld.idx.msk [tilespmem:v29+s2+$0x0], $0xffff  }
0xd5: {  	v22 =	vld.idx.msk [tilespmem:v22+s2+$0x0], $0xffff;
	v28 =	vadd.f32 v28, v31;
	v29 =	vand.u32 $0xFFFF0000, v27;
	v27 =	vshll.u32 v27, $0x10  }
0xd6: {  	v20 =	vld.idx.msk [tilespmem:v20+s2+$0x0], $0xffff;
	v16 =	vadd.f32 v19, v16;
	v21 =	vadd.f32 v29, v21;
	v29 =	vand.u32 $0xFFFF0000, v18  }
0xd7: {  	v18 =	vshll.u32 v18, $0x10;
	v25 =	vadd.f32 v27, v25;
	v23 =	vadd.f32 v23, v28  }
0xd8: {  	v27 =	vand.u32 $0xFFFF0000, v26;
	v16 =	vadd.f32 v24, v16;
	v21 =	vadd.f32 v29, v21  }
0xd9: {  	v18 =	vadd.f32 v18, v25;
	v25 =	vshll.u32 v26, $0x10;
	v19 =	vadd.f32 v27, v23  }
0xda: {  	v16 =	vadd.f32 v25, v16;
	v28 =	vand.u32 $0xFFFF0000, v17;
	v17 =	vshll.u32 v17, $0x10  }
0xdb: {  	v23 =	vand.u32 $0xFFFF0000, v22;
	v24 =	vshll.u32 v20, $0x10;
	v21 =	vadd.f32 v28, v21  }
0xdc: {  	s23 =	simm.s32 $0x0;
	v17 =	vadd.f32 v17, v18;
	v18 =	vadd.f32 v23, v19;
	v19 =	vand.u32 $0xFFFF0000, v20  }
0xdd: {  	v20 =	vshll.u32 v22, $0x10;
	v19 =	vadd.f32 v19, v21;
	v21 =	vmov s23  }
0xde: {  	v16 =	vadd.f32 v20, v16;
	v17 =	vadd.f32 v24, v17;
	v20 =	vshrl.u32 v21, $0x3  }
0xdf: {  	v18 =	vadd.f32 v19, v18;
	v19 =	vshll.u32 v20, $0x3  }
0xe0: {  	v16 =	vadd.f32 v17, v16;
	v17 =	vbroadcast v19, $0x0  }
0xe1: {  	[tilespmem:v12+s19+$0x0] =	vst.idx.msk $0xffff, v18  }
0xe2: {  	[tilespmem:v13+s19+$0x0] =	vst.idx.msk $0xffff, v16;
	v16 =	vadd.s32 v2, v17  }
0xe3: {  	v18 =	vadd.s32 v0, v17;
	[tilespmem:s15], [sflag:$0x2] =	stream.linear.gather [hbm4b:s8+s23], $0xC80, $0x38;
	[tilespmem:$0x1C300] =	vst v63  }
0xe4: {  	v19 =	vadd.s32 v1, v17;
	_ =	swait.ge [sflag:s20], $0xC80  }
0xe5: {  	v20 =	vadd.s32 v4, v17;
	[sflag:s20] =	ssyncset.done $0x0  }
0xe6: {  	v21 =	vadd.s32 v5, v17;
	[sflag:s20] =	ssyncadd.s32 $0xFFFFF380  }
0xe7: {  	v22 =	vadd.s32 v6, v17;
	v16 =	vld.idx.msk [tilespmem:v16+s16+$0x0], $0xffff  }
0xe8: {  	v23 =	vadd.s32 v7, v17;
	v18 =	vld.idx.msk [tilespmem:v18+s16+$0x0], $0xffff  }
0xe9: {  	v17 =	vadd.s32 v8, v17;
	v19 =	vld.idx.msk [tilespmem:v19+s16+$0x0], $0xffff  }
0xea: {  	v20 =	vld.idx.msk [tilespmem:v20+s16+$0x0], $0xffff  }
0xeb: {  	v21 =	vld.idx.msk [tilespmem:v21+s16+$0x0], $0xffff  }
0xec: {  	s23 =	simm.s32 $0x8;
	v24 =	vld.idx.msk [tilespmem:v22+s16+$0x0], $0xffff  }
0xed: {  	v22 =	vmov s23;
	v23 =	vld.idx.msk [tilespmem:v23+s16+$0x0], $0xffff  }
0xee: {  	v25 =	vld.idx.msk [tilespmem:v17+s16+$0x0], $0xffff;
	v22 =	vshrl.u32 v22, $0x3  }
0xef: {  	v17 =	vshll.u32 v22, $0x3;
	v27 =	vld.idx.msk [tilespmem:v16+s2+$0x0], $0xffff  }
0xf0: {  	v16 =	vbroadcast v17, $0x0;
	v26 =	vld.idx.msk [tilespmem:v18+s2+$0x0], $0xffff  }
0xf1: {  	v28 =	vld.idx.msk [tilespmem:v19+s2+$0x0], $0xffff  }
0xf2: {  	v31 =	vld.idx.msk [tilespmem:v20+s2+$0x0], $0xffff;
	v30 =	vadd.s32 v2, v16  }
0xf3: {  	v17 =	vimm.f32 $0.0e+00;
	v18 =	vld.idx.msk [tilespmem:v21+s2+$0x0], $0xffff;
	v59 =	vadd.s32 v0, v16;
	v60 =	vadd.s32 v1, v16  }
0xf4: {  	v36 =	vld.idx.msk [tilespmem:v24+s2+$0x0], $0xffff;
	v61 =	vadd.s32 v4, v16;
	v62 =	vadd.s32 v5, v16;
	v22 =	vadd.s32 v7, v16  }
0xf5: {  	v20 =	vadd.s32 v8, v16;
	v29 =	vadd.s32 v6, v16;
	v16 =	vld.idx.msk [tilespmem:v23+s2+$0x0], $0xffff;
	v19 =	vshll.u32 v27, $0x10  }
0xf6: {  	v21 =	vld.idx.msk [tilespmem:v25+s2+$0x0], $0xffff;
	v24 =	vand.u32 $0xFFFF0000, v26;
	v26 =	vshll.u32 v26, $0x10;
	v37 =	vand.u32 $0xFFFF0000, v27  }
0xf7: {  	v27 =	vand.u32 $0xFFFF0000, v28;
	v28 =	vshll.u32 v28, $0x10;
	v25 =	vadd.f32 v24, v17;
	v23 =	vld.idx.msk [tilespmem:v30+s16+$0x0], $0xffff  }
0xf8: {  	v63 =	vand.u32 $0xFFFF0000, v31;
	v31 =	vshll.u32 v31, $0x10;
	v24 =	vld.idx.msk [tilespmem:v59+s16+$0x0], $0xffff;
	v30 =	vadd.f32 v27, v17  }
0xf9: {  	v39 =	vand.u32 $0xFFFF0000, v18;
	v38 =	vadd.f32 v28, v17;
	v27 =	vld.idx.msk [tilespmem:v60+s16+$0x0], $0xffff;
	v37 =	vadd.f32 v37, v25  }
0xfa: {  	v34 =	vand.u32 $0xFFFF0000, v36;
	v32 =	vand.u32 $0xFFFF0000, v16;
	v25 =	vld.idx.msk [tilespmem:v61+s16+$0x0], $0xffff;
	v33 =	vadd.f32 v63, v30  }
0xfb: {  	s24 =	simm.s32 $0x4;
	v28 =	vld.idx.msk [tilespmem:v62+s16+$0x0], $0xffff;
	v35 =	vadd.f32 v31, v38;
	v30 =	vshll.u32 v36, $0x10;
	v31 =	vadd.f32 v39, v37  }
.LBB2_8:
0xfc: {  	s24 =	sadd.s32 $0x4, s24;
	v29 =	vld.idx.msk [tilespmem:v29+s16+$0x0], $0xffff;
	s23 =	sadd.s32 $0x8, s23;
	v18 =	vshll.u32 v18, $0x10;
	v33 =	vadd.f32 v34, v33;
	v34 =	vshll.u32 v21, $0x10  }
0xfd: {  	v17 =	vadd.f32 v26, v17;
	v36 =	vmov s23;
	p1 =	slt.u32 s24, $0x60;
	v37 =	vld.idx.msk [tilespmem:v22+s16+$0x0], $0xffff;
	v22 =	vadd.f32 v30, v35  }
0xfe: {  	v31 =	vadd.f32 v32, v31;
	v26 =	vshrl.u32 v36, $0x3;
	v30 =	vld.idx.msk [tilespmem:v20+s16+$0x0], $0xffff;
	v20 =	vand.u32 $0xFFFF0000, v21  }
0xff: {  	v17 =	vadd.f32 v19, v17;
	v21 =	vshll.u32 v26, $0x3;
	v23 =	vld.idx.msk [tilespmem:v23+s2+$0x0], $0xffff;
	v32 =	vadd.f32 v34, v22  }
0x100: {  	v33 =	vadd.f32 v20, v33;
	v19 =	vbroadcast v21, $0x0;
	v21 =	vld.idx.msk [tilespmem:v24+s2+$0x0], $0xffff  }
0x101: {  	v16 =	vshll.u32 v16, $0x10;
	v17 =	vadd.f32 v18, v17;
	v24 =	vld.idx.msk [tilespmem:v27+s2+$0x0], $0xffff  }
0x102: {  	v27 =	vadd.s32 v0, v19;
	v34 =	vadd.s32 v1, v19;
	v35 =	vadd.s32 v2, v19;
	v25 =	vld.idx.msk [tilespmem:v25+s2+$0x0], $0xffff  }
0x103: {  	v36 =	vadd.s32 v4, v19;
	v38 =	vadd.s32 v5, v19;
	v17 =	vadd.f32 v16, v17;
	v18 =	vld.idx.msk [tilespmem:v28+s2+$0x0], $0xffff  }
0x104: {  	v22 =	vadd.s32 v7, v19;
	v20 =	vadd.s32 v8, v19;
	v28 =	vld.idx.msk [tilespmem:v29+s2+$0x0], $0xffff  }
0x105: {  	v29 =	vadd.s32 v6, v19;
	v19 =	vshll.u32 v23, $0x10;
	v16 =	vld.idx.msk [tilespmem:v37+s2+$0x0], $0xffff  }
0x106: {  	v39 =	vand.u32 $0xFFFF0000, v23;
	v37 =	vand.u32 $0xFFFF0000, v21;
	v26 =	vshll.u32 v21, $0x10;
	v21 =	vld.idx.msk [tilespmem:v30+s2+$0x0], $0xffff  }
.Ltmp3:
0x107: {  	v30 =	vadd.f32 v37, v31;
	v31 =	vand.u32 $0xFFFF0000, v24;
	v23 =	vld.idx.msk [tilespmem:v35+s16+$0x0], $0xffff;
	v35 =	vshll.u32 v24, $0x10;
	(pc) =	sbr.rel @p1 .LBB2_8-.Ltmp3, $4  }
0x108: {  	v31 =	vadd.f32 v31, v33;
	v33 =	vand.u32 $0xFFFF0000, v25;
	v37 =	vshll.u32 v25, $0x10;
	v24 =	vld.idx.msk [tilespmem:v27+s16+$0x0], $0xffff  }
0x109: {  	v32 =	vadd.f32 v35, v32;
	v39 =	vadd.f32 v39, v30;
	v40 =	vand.u32 $0xFFFF0000, v18;
	v27 =	vld.idx.msk [tilespmem:v34+s16+$0x0], $0xffff  }
0x10a: {  	v33 =	vadd.f32 v33, v31;
	v34 =	vand.u32 $0xFFFF0000, v28;
	v30 =	vshll.u32 v28, $0x10;
	v25 =	vld.idx.msk [tilespmem:v36+s16+$0x0], $0xffff  }
0x10b: {  	v35 =	vadd.f32 v37, v32;
	v31 =	vadd.f32 v40, v39;
	v32 =	vand.u32 $0xFFFF0000, v16;
	v28 =	vld.idx.msk [tilespmem:v38+s16+$0x0], $0xffff  }
0x10c: {  	_ =	sdelay $0x3  }
0x10d: {  	v29 =	vld.idx.msk [tilespmem:v29+s16+$0x0], $0xffff  }
0x10e: {  	v22 =	vld.idx.msk [tilespmem:v22+s16+$0x0], $0xffff  }
0x10f: {  	v17 =	vadd.f32 v26, v17;
	v20 =	vld.idx.msk [tilespmem:v20+s16+$0x0], $0xffff  }
0x110: {  	v23 =	vld.idx.msk [tilespmem:v23+s2+$0x0], $0xffff  }
0x111: {  	v17 =	vadd.f32 v19, v17;
	v19 =	vld.idx.msk [tilespmem:v24+s2+$0x0], $0xffff  }
0x112: {  	v18 =	vshll.u32 v18, $0x10;
	v16 =	vshll.u32 v16, $0x10;
	v26 =	vadd.f32 v30, v35;
	v27 =	vld.idx.msk [tilespmem:v27+s2+$0x0], $0xffff  }
0x113: {  	v30 =	vshll.u32 v21, $0x10;
	v24 =	vadd.f32 v34, v33;
	v17 =	vadd.f32 v18, v17;
	v18 =	vld.idx.msk [tilespmem:v25+s2+$0x0], $0xffff  }
0x114: {  	v31 =	vadd.f32 v32, v31;
	v21 =	vand.u32 $0xFFFF0000, v21;
	v25 =	vadd.f32 v30, v26  }
0x115: {  	v26 =	vld.idx.msk [tilespmem:v28+s2+$0x0], $0xffff;
	v21 =	vadd.f32 v21, v24;
	v24 =	vshll.u32 v23, $0x10;
	v23 =	vand.u32 $0xFFFF0000, v23  }
0x116: {  	v16 =	vadd.f32 v16, v17;
	v28 =	vand.u32 $0xFFFF0000, v19;
	v19 =	vshll.u32 v19, $0x10;
	v17 =	vld.idx.msk [tilespmem:v29+s2+$0x0], $0xffff  }
0x117: {  	v22 =	vld.idx.msk [tilespmem:v22+s2+$0x0], $0xffff;
	v28 =	vadd.f32 v28, v31;
	v29 =	vand.u32 $0xFFFF0000, v27;
	v27 =	vshll.u32 v27, $0x10  }
0x118: {  	v20 =	vld.idx.msk [tilespmem:v20+s2+$0x0], $0xffff;
	v16 =	vadd.f32 v19, v16;
	v21 =	vadd.f32 v29, v21;
	v29 =	vand.u32 $0xFFFF0000, v18  }
0x119: {  	v18 =	vshll.u32 v18, $0x10;
	v25 =	vadd.f32 v27, v25;
	v23 =	vadd.f32 v23, v28  }
0x11a: {  	v27 =	vand.u32 $0xFFFF0000, v26;
	v16 =	vadd.f32 v24, v16;
	v21 =	vadd.f32 v29, v21  }
0x11b: {  	v18 =	vadd.f32 v18, v25;
	v25 =	vshll.u32 v26, $0x10;
	v19 =	vadd.f32 v27, v23  }
0x11c: {  	v16 =	vadd.f32 v25, v16;
	v28 =	vand.u32 $0xFFFF0000, v17;
	v17 =	vshll.u32 v17, $0x10  }
0x11d: {  	v23 =	vand.u32 $0xFFFF0000, v22;
	v24 =	vshll.u32 v20, $0x10;
	v21 =	vadd.f32 v28, v21  }
0x11e: {  	s23 =	simm.s32 $0x0;
	v17 =	vadd.f32 v17, v18;
	v18 =	vadd.f32 v23, v19;
	v19 =	vand.u32 $0xFFFF0000, v20  }
0x11f: {  	v20 =	vshll.u32 v22, $0x10;
	v19 =	vadd.f32 v19, v21;
	v21 =	vmov s23  }
0x120: {  	v16 =	vadd.f32 v20, v16;
	v17 =	vadd.f32 v24, v17;
	v20 =	vshrl.u32 v21, $0x3  }
0x121: {  	v18 =	vadd.f32 v19, v18;
	v19 =	vshll.u32 v20, $0x3  }
0x122: {  	v16 =	vadd.f32 v17, v16;
	v17 =	vbroadcast v19, $0x0  }
0x123: {  	[tilespmem:v14+s19+$0x0] =	vst.idx.msk $0xffff, v18  }
0x124: {  	[tilespmem:v15+s19+$0x0] =	vst.idx.msk $0xffff, v16;
	v16 =	vadd.s32 v2, v17  }
0x125: {  	v18 =	vadd.s32 v0, v17;
	[tilespmem:s16], [sflag:$0x3] =	stream.linear.gather [hbm4b:s9+s23], $0xC80, $0x38;
	[tilespmem:$0x1C300] =	vst v63  }
0x126: {  	v19 =	vadd.s32 v1, v17;
	_ =	swait.ge [sflag:s18], $0xC80  }
0x127: {  	v20 =	vadd.s32 v4, v17;
	[sflag:s18] =	ssyncset.done $0x0  }
0x128: {  	v21 =	vadd.s32 v5, v17;
	[sflag:s18] =	ssyncadd.s32 $0xFFFFF380  }
0x129: {  	v22 =	vadd.s32 v6, v17;
	v16 =	vld.idx.msk [tilespmem:v16+s15+$0x0], $0xffff  }
0x12a: {  	v23 =	vadd.s32 v7, v17;
	v18 =	vld.idx.msk [tilespmem:v18+s15+$0x0], $0xffff  }
0x12b: {  	v17 =	vadd.s32 v8, v17;
	v19 =	vld.idx.msk [tilespmem:v19+s15+$0x0], $0xffff  }
0x12c: {  	v20 =	vld.idx.msk [tilespmem:v20+s15+$0x0], $0xffff  }
0x12d: {  	v21 =	vld.idx.msk [tilespmem:v21+s15+$0x0], $0xffff  }
0x12e: {  	s23 =	simm.s32 $0x8;
	v24 =	vld.idx.msk [tilespmem:v22+s15+$0x0], $0xffff  }
0x12f: {  	v22 =	vmov s23;
	v23 =	vld.idx.msk [tilespmem:v23+s15+$0x0], $0xffff  }
0x130: {  	v25 =	vld.idx.msk [tilespmem:v17+s15+$0x0], $0xffff;
	v22 =	vshrl.u32 v22, $0x3  }
0x131: {  	v17 =	vshll.u32 v22, $0x3;
	v27 =	vld.idx.msk [tilespmem:v16+s2+$0x0], $0xffff  }
0x132: {  	v16 =	vbroadcast v17, $0x0;
	v26 =	vld.idx.msk [tilespmem:v18+s2+$0x0], $0xffff  }
0x133: {  	v28 =	vld.idx.msk [tilespmem:v19+s2+$0x0], $0xffff  }
0x134: {  	v31 =	vld.idx.msk [tilespmem:v20+s2+$0x0], $0xffff;
	v30 =	vadd.s32 v2, v16  }
0x135: {  	v17 =	vimm.f32 $0.0e+00;
	v18 =	vld.idx.msk [tilespmem:v21+s2+$0x0], $0xffff;
	v59 =	vadd.s32 v0, v16;
	v60 =	vadd.s32 v1, v16  }
0x136: {  	v36 =	vld.idx.msk [tilespmem:v24+s2+$0x0], $0xffff;
	v61 =	vadd.s32 v4, v16;
	v62 =	vadd.s32 v5, v16;
	v22 =	vadd.s32 v7, v16  }
0x137: {  	v20 =	vadd.s32 v8, v16;
	v29 =	vadd.s32 v6, v16;
	v16 =	vld.idx.msk [tilespmem:v23+s2+$0x0], $0xffff;
	v19 =	vshll.u32 v27, $0x10  }
0x138: {  	v21 =	vld.idx.msk [tilespmem:v25+s2+$0x0], $0xffff;
	v24 =	vand.u32 $0xFFFF0000, v26;
	v26 =	vshll.u32 v26, $0x10;
	v37 =	vand.u32 $0xFFFF0000, v27  }
0x139: {  	v27 =	vand.u32 $0xFFFF0000, v28;
	v28 =	vshll.u32 v28, $0x10;
	v25 =	vadd.f32 v24, v17;
	v23 =	vld.idx.msk [tilespmem:v30+s15+$0x0], $0xffff  }
0x13a: {  	v63 =	vand.u32 $0xFFFF0000, v31;
	v31 =	vshll.u32 v31, $0x10;
	v24 =	vld.idx.msk [tilespmem:v59+s15+$0x0], $0xffff;
	v30 =	vadd.f32 v27, v17  }
0x13b: {  	v39 =	vand.u32 $0xFFFF0000, v18;
	v38 =	vadd.f32 v28, v17;
	v27 =	vld.idx.msk [tilespmem:v60+s15+$0x0], $0xffff;
	v37 =	vadd.f32 v37, v25  }
0x13c: {  	v34 =	vand.u32 $0xFFFF0000, v36;
	v32 =	vand.u32 $0xFFFF0000, v16;
	v25 =	vld.idx.msk [tilespmem:v61+s15+$0x0], $0xffff;
	v33 =	vadd.f32 v63, v30  }
0x13d: {  	s24 =	simm.s32 $0x4;
	v28 =	vld.idx.msk [tilespmem:v62+s15+$0x0], $0xffff;
	v35 =	vadd.f32 v31, v38;
	v30 =	vshll.u32 v36, $0x10;
	v31 =	vadd.f32 v39, v37  }
.LBB2_10:
0x13e: {  	s24 =	sadd.s32 $0x4, s24;
	v29 =	vld.idx.msk [tilespmem:v29+s15+$0x0], $0xffff;
	s23 =	sadd.s32 $0x8, s23;
	v18 =	vshll.u32 v18, $0x10;
	v33 =	vadd.f32 v34, v33;
	v34 =	vshll.u32 v21, $0x10  }
0x13f: {  	v17 =	vadd.f32 v26, v17;
	v36 =	vmov s23;
	p1 =	slt.u32 s24, $0x60;
	v37 =	vld.idx.msk [tilespmem:v22+s15+$0x0], $0xffff;
	v22 =	vadd.f32 v30, v35  }
0x140: {  	v31 =	vadd.f32 v32, v31;
	v26 =	vshrl.u32 v36, $0x3;
	v30 =	vld.idx.msk [tilespmem:v20+s15+$0x0], $0xffff;
	v20 =	vand.u32 $0xFFFF0000, v21  }
0x141: {  	v17 =	vadd.f32 v19, v17;
	v21 =	vshll.u32 v26, $0x3;
	v23 =	vld.idx.msk [tilespmem:v23+s2+$0x0], $0xffff;
	v32 =	vadd.f32 v34, v22  }
0x142: {  	v33 =	vadd.f32 v20, v33;
	v19 =	vbroadcast v21, $0x0;
	v21 =	vld.idx.msk [tilespmem:v24+s2+$0x0], $0xffff  }
0x143: {  	v16 =	vshll.u32 v16, $0x10;
	v17 =	vadd.f32 v18, v17;
	v24 =	vld.idx.msk [tilespmem:v27+s2+$0x0], $0xffff  }
0x144: {  	v27 =	vadd.s32 v0, v19;
	v34 =	vadd.s32 v1, v19;
	v35 =	vadd.s32 v2, v19;
	v25 =	vld.idx.msk [tilespmem:v25+s2+$0x0], $0xffff  }
0x145: {  	v36 =	vadd.s32 v4, v19;
	v38 =	vadd.s32 v5, v19;
	v17 =	vadd.f32 v16, v17;
	v18 =	vld.idx.msk [tilespmem:v28+s2+$0x0], $0xffff  }
0x146: {  	v22 =	vadd.s32 v7, v19;
	v20 =	vadd.s32 v8, v19;
	v28 =	vld.idx.msk [tilespmem:v29+s2+$0x0], $0xffff  }
0x147: {  	v29 =	vadd.s32 v6, v19;
	v19 =	vshll.u32 v23, $0x10;
	v16 =	vld.idx.msk [tilespmem:v37+s2+$0x0], $0xffff  }
0x148: {  	v39 =	vand.u32 $0xFFFF0000, v23;
	v37 =	vand.u32 $0xFFFF0000, v21;
	v26 =	vshll.u32 v21, $0x10;
	v21 =	vld.idx.msk [tilespmem:v30+s2+$0x0], $0xffff  }
.Ltmp4:
0x149: {  	v30 =	vadd.f32 v37, v31;
	v31 =	vand.u32 $0xFFFF0000, v24;
	v23 =	vld.idx.msk [tilespmem:v35+s15+$0x0], $0xffff;
	v35 =	vshll.u32 v24, $0x10;
	(pc) =	sbr.rel @p1 .LBB2_10-.Ltmp4, $4  }
0x14a: {  	v31 =	vadd.f32 v31, v33;
	v33 =	vand.u32 $0xFFFF0000, v25;
	v37 =	vshll.u32 v25, $0x10;
	v24 =	vld.idx.msk [tilespmem:v27+s15+$0x0], $0xffff  }
0x14b: {  	v32 =	vadd.f32 v35, v32;
	v39 =	vadd.f32 v39, v30;
	v40 =	vand.u32 $0xFFFF0000, v18;
	v27 =	vld.idx.msk [tilespmem:v34+s15+$0x0], $0xffff  }
0x14c: {  	v33 =	vadd.f32 v33, v31;
	v34 =	vand.u32 $0xFFFF0000, v28;
	v30 =	vshll.u32 v28, $0x10;
	v25 =	vld.idx.msk [tilespmem:v36+s15+$0x0], $0xffff  }
0x14d: {  	v35 =	vadd.f32 v37, v32;
	v31 =	vadd.f32 v40, v39;
	v32 =	vand.u32 $0xFFFF0000, v16;
	v28 =	vld.idx.msk [tilespmem:v38+s15+$0x0], $0xffff  }
0x14e: {  	_ =	sdelay $0x3  }
0x14f: {  	v29 =	vld.idx.msk [tilespmem:v29+s15+$0x0], $0xffff  }
0x150: {  	v22 =	vld.idx.msk [tilespmem:v22+s15+$0x0], $0xffff  }
0x151: {  	v17 =	vadd.f32 v26, v17;
	v20 =	vld.idx.msk [tilespmem:v20+s15+$0x0], $0xffff  }
0x152: {  	v23 =	vld.idx.msk [tilespmem:v23+s2+$0x0], $0xffff  }
0x153: {  	v17 =	vadd.f32 v19, v17;
	v19 =	vld.idx.msk [tilespmem:v24+s2+$0x0], $0xffff  }
0x154: {  	v18 =	vshll.u32 v18, $0x10;
	v16 =	vshll.u32 v16, $0x10;
	v27 =	vld.idx.msk [tilespmem:v27+s2+$0x0], $0xffff  }
0x155: {  	v26 =	vadd.f32 v30, v35;
	v30 =	vshll.u32 v21, $0x10;
	v24 =	vadd.f32 v34, v33  }
0x156: {  	v31 =	vadd.f32 v32, v31;
	v21 =	vand.u32 $0xFFFF0000, v21;
	v17 =	vadd.f32 v18, v17;
	v18 =	vld.idx.msk [tilespmem:v25+s2+$0x0], $0xffff  }
0x157: {  	v25 =	vadd.f32 v30, v26;
	v26 =	vld.idx.msk [tilespmem:v28+s2+$0x0], $0xffff;
	v21 =	vadd.f32 v21, v24;
	v24 =	vshll.u32 v23, $0x10  }
0x158: {  	v23 =	vand.u32 $0xFFFF0000, v23;
	v16 =	vadd.f32 v16, v17;
	v28 =	vand.u32 $0xFFFF0000, v19  }
0x159: {  	v19 =	vshll.u32 v19, $0x10;
	v17 =	vld.idx.msk [tilespmem:v29+s2+$0x0], $0xffff;
	v28 =	vadd.f32 v28, v31;
	v29 =	vand.u32 $0xFFFF0000, v27  }
0x15a: {  	v22 =	vld.idx.msk [tilespmem:v22+s2+$0x0], $0xffff;
	v27 =	vshll.u32 v27, $0x10;
	v16 =	vadd.f32 v19, v16;
	v21 =	vadd.f32 v29, v21  }
0x15b: {  	v20 =	vld.idx.msk [tilespmem:v20+s2+$0x0], $0xffff;
	v29 =	vand.u32 $0xFFFF0000, v18;
	v18 =	vshll.u32 v18, $0x10;
	v25 =	vadd.f32 v27, v25  }
0x15c: {  	v27 =	vand.u32 $0xFFFF0000, v26;
	v23 =	vadd.f32 v23, v28;
	v16 =	vadd.f32 v24, v16  }
0x15d: {  	v21 =	vadd.f32 v29, v21;
	v18 =	vadd.f32 v18, v25;
	v25 =	vshll.u32 v26, $0x10  }
0x15e: {  	v19 =	vadd.f32 v27, v23;
	v16 =	vadd.f32 v25, v16;
	v28 =	vand.u32 $0xFFFF0000, v17  }
0x15f: {  	v17 =	vshll.u32 v17, $0x10;
	v23 =	vand.u32 $0xFFFF0000, v22;
	v21 =	vadd.f32 v28, v21  }
0x160: {  	s23 =	simm.s32 $0x0;
	v26 =	vshll.u32 v20, $0x10;
	v17 =	vadd.f32 v17, v18;
	v18 =	vadd.f32 v23, v19  }
0x161: {  	v19 =	vand.u32 $0xFFFF0000, v20;
	v20 =	vor.u32 $0x80, v3;
	v23 =	vmov s23  }
0x162: {  	v19 =	vadd.f32 v19, v21;
	v21 =	vshll.u32 v22, $0x10;
	v22 =	vor.u32 $0x81, v3  }
0x163: {  	v17 =	vadd.f32 v26, v17;
	v16 =	vadd.f32 v21, v16;
	v21 =	vshrl.u32 v23, $0x3  }
0x164: {  	v18 =	vadd.f32 v19, v18;
	v19 =	vshll.u32 v21, $0x3  }
0x165: {  	v16 =	vadd.f32 v17, v16;
	v17 =	vbroadcast v19, $0x0  }
0x166: {  	[tilespmem:v20+s19+$0x0] =	vst.idx.msk $0xffff, v18  }
0x167: {  	[tilespmem:v22+s19+$0x0] =	vst.idx.msk $0xffff, v16;
	v16 =	vadd.s32 v2, v17  }
0x168: {  	v18 =	vadd.s32 v0, v17;
	[tilespmem:s15], [sflag:$0x2] =	stream.linear.gather [hbm4b:s10+s23], $0xC80, $0x38;
	[tilespmem:$0x1C300] =	vst v63  }
0x169: {  	v19 =	vadd.s32 v1, v17;
	_ =	swait.ge [sflag:s20], $0xC80  }
0x16a: {  	v20 =	vadd.s32 v4, v17;
	[sflag:s20] =	ssyncset.done $0x0  }
0x16b: {  	v21 =	vadd.s32 v5, v17;
	[sflag:s20] =	ssyncadd.s32 $0xFFFFF380  }
0x16c: {  	v22 =	vadd.s32 v6, v17;
	v16 =	vld.idx.msk [tilespmem:v16+s16+$0x0], $0xffff  }
0x16d: {  	v23 =	vadd.s32 v7, v17;
	v18 =	vld.idx.msk [tilespmem:v18+s16+$0x0], $0xffff  }
0x16e: {  	v17 =	vadd.s32 v8, v17;
	v19 =	vld.idx.msk [tilespmem:v19+s16+$0x0], $0xffff  }
0x16f: {  	v20 =	vld.idx.msk [tilespmem:v20+s16+$0x0], $0xffff  }
0x170: {  	v21 =	vld.idx.msk [tilespmem:v21+s16+$0x0], $0xffff  }
0x171: {  	s23 =	simm.s32 $0x8;
	v24 =	vld.idx.msk [tilespmem:v22+s16+$0x0], $0xffff  }
0x172: {  	v22 =	vmov s23;
	v23 =	vld.idx.msk [tilespmem:v23+s16+$0x0], $0xffff  }
0x173: {  	v25 =	vld.idx.msk [tilespmem:v17+s16+$0x0], $0xffff;
	v22 =	vshrl.u32 v22, $0x3  }
0x174: {  	v17 =	vshll.u32 v22, $0x3;
	v27 =	vld.idx.msk [tilespmem:v16+s2+$0x0], $0xffff  }
0x175: {  	v16 =	vbroadcast v17, $0x0;
	v26 =	vld.idx.msk [tilespmem:v18+s2+$0x0], $0xffff  }
0x176: {  	v28 =	vld.idx.msk [tilespmem:v19+s2+$0x0], $0xffff  }
0x177: {  	v31 =	vld.idx.msk [tilespmem:v20+s2+$0x0], $0xffff;
	v30 =	vadd.s32 v2, v16  }
0x178: {  	v17 =	vimm.f32 $0.0e+00;
	v18 =	vld.idx.msk [tilespmem:v21+s2+$0x0], $0xffff;
	v59 =	vadd.s32 v0, v16;
	v60 =	vadd.s32 v1, v16  }
0x179: {  	v36 =	vld.idx.msk [tilespmem:v24+s2+$0x0], $0xffff;
	v61 =	vadd.s32 v4, v16;
	v62 =	vadd.s32 v5, v16;
	v22 =	vadd.s32 v7, v16  }
0x17a: {  	v20 =	vadd.s32 v8, v16;
	v29 =	vadd.s32 v6, v16;
	v16 =	vld.idx.msk [tilespmem:v23+s2+$0x0], $0xffff;
	v19 =	vshll.u32 v27, $0x10  }
0x17b: {  	v21 =	vld.idx.msk [tilespmem:v25+s2+$0x0], $0xffff;
	v24 =	vand.u32 $0xFFFF0000, v26;
	v26 =	vshll.u32 v26, $0x10;
	v37 =	vand.u32 $0xFFFF0000, v27  }
0x17c: {  	v27 =	vand.u32 $0xFFFF0000, v28;
	v28 =	vshll.u32 v28, $0x10;
	v25 =	vadd.f32 v24, v17;
	v23 =	vld.idx.msk [tilespmem:v30+s16+$0x0], $0xffff  }
0x17d: {  	v63 =	vand.u32 $0xFFFF0000, v31;
	v31 =	vshll.u32 v31, $0x10;
	v24 =	vld.idx.msk [tilespmem:v59+s16+$0x0], $0xffff;
	v30 =	vadd.f32 v27, v17  }
0x17e: {  	v39 =	vand.u32 $0xFFFF0000, v18;
	v38 =	vadd.f32 v28, v17;
	v27 =	vld.idx.msk [tilespmem:v60+s16+$0x0], $0xffff;
	v37 =	vadd.f32 v37, v25  }
0x17f: {  	v34 =	vand.u32 $0xFFFF0000, v36;
	v32 =	vand.u32 $0xFFFF0000, v16;
	v25 =	vld.idx.msk [tilespmem:v61+s16+$0x0], $0xffff;
	v33 =	vadd.f32 v63, v30  }
0x180: {  	s24 =	simm.s32 $0x4;
	v28 =	vld.idx.msk [tilespmem:v62+s16+$0x0], $0xffff;
	v35 =	vadd.f32 v31, v38;
	v30 =	vshll.u32 v36, $0x10;
	v31 =	vadd.f32 v39, v37  }
.LBB2_12:
0x181: {  	s24 =	sadd.s32 $0x4, s24;
	v29 =	vld.idx.msk [tilespmem:v29+s16+$0x0], $0xffff;
	s23 =	sadd.s32 $0x8, s23;
	v18 =	vshll.u32 v18, $0x10;
	v33 =	vadd.f32 v34, v33;
	v34 =	vshll.u32 v21, $0x10  }
0x182: {  	v17 =	vadd.f32 v26, v17;
	v36 =	vmov s23;
	p1 =	slt.u32 s24, $0x60;
	v37 =	vld.idx.msk [tilespmem:v22+s16+$0x0], $0xffff;
	v22 =	vadd.f32 v30, v35  }
0x183: {  	v31 =	vadd.f32 v32, v31;
	v26 =	vshrl.u32 v36, $0x3;
	v30 =	vld.idx.msk [tilespmem:v20+s16+$0x0], $0xffff;
	v20 =	vand.u32 $0xFFFF0000, v21  }
0x184: {  	v17 =	vadd.f32 v19, v17;
	v21 =	vshll.u32 v26, $0x3;
	v23 =	vld.idx.msk [tilespmem:v23+s2+$0x0], $0xffff;
	v32 =	vadd.f32 v34, v22  }
0x185: {  	v33 =	vadd.f32 v20, v33;
	v19 =	vbroadcast v21, $0x0;
	v21 =	vld.idx.msk [tilespmem:v24+s2+$0x0], $0xffff  }
0x186: {  	v16 =	vshll.u32 v16, $0x10;
	v17 =	vadd.f32 v18, v17;
	v24 =	vld.idx.msk [tilespmem:v27+s2+$0x0], $0xffff  }
0x187: {  	v27 =	vadd.s32 v0, v19;
	v34 =	vadd.s32 v1, v19;
	v35 =	vadd.s32 v2, v19;
	v25 =	vld.idx.msk [tilespmem:v25+s2+$0x0], $0xffff  }
0x188: {  	v36 =	vadd.s32 v4, v19;
	v38 =	vadd.s32 v5, v19;
	v17 =	vadd.f32 v16, v17;
	v18 =	vld.idx.msk [tilespmem:v28+s2+$0x0], $0xffff  }
0x189: {  	v22 =	vadd.s32 v7, v19;
	v20 =	vadd.s32 v8, v19;
	v28 =	vld.idx.msk [tilespmem:v29+s2+$0x0], $0xffff  }
0x18a: {  	v29 =	vadd.s32 v6, v19;
	v19 =	vshll.u32 v23, $0x10;
	v16 =	vld.idx.msk [tilespmem:v37+s2+$0x0], $0xffff  }
0x18b: {  	v39 =	vand.u32 $0xFFFF0000, v23;
	v37 =	vand.u32 $0xFFFF0000, v21;
	v26 =	vshll.u32 v21, $0x10;
	v21 =	vld.idx.msk [tilespmem:v30+s2+$0x0], $0xffff  }
.Ltmp5:
0x18c: {  	v30 =	vadd.f32 v37, v31;
	v31 =	vand.u32 $0xFFFF0000, v24;
	v23 =	vld.idx.msk [tilespmem:v35+s16+$0x0], $0xffff;
	v35 =	vshll.u32 v24, $0x10;
	(pc) =	sbr.rel @p1 .LBB2_12-.Ltmp5, $4  }
0x18d: {  	v31 =	vadd.f32 v31, v33;
	v33 =	vand.u32 $0xFFFF0000, v25;
	v37 =	vshll.u32 v25, $0x10;
	v24 =	vld.idx.msk [tilespmem:v27+s16+$0x0], $0xffff  }
0x18e: {  	v32 =	vadd.f32 v35, v32;
	v39 =	vadd.f32 v39, v30;
	v40 =	vand.u32 $0xFFFF0000, v18;
	v27 =	vld.idx.msk [tilespmem:v34+s16+$0x0], $0xffff  }
0x18f: {  	v33 =	vadd.f32 v33, v31;
	v34 =	vand.u32 $0xFFFF0000, v28;
	v30 =	vshll.u32 v28, $0x10;
	v25 =	vld.idx.msk [tilespmem:v36+s16+$0x0], $0xffff  }
0x190: {  	v35 =	vadd.f32 v37, v32;
	v31 =	vadd.f32 v40, v39;
	v32 =	vand.u32 $0xFFFF0000, v16;
	v28 =	vld.idx.msk [tilespmem:v38+s16+$0x0], $0xffff  }
0x191: {  	_ =	sdelay $0x3  }
0x192: {  	v29 =	vld.idx.msk [tilespmem:v29+s16+$0x0], $0xffff  }
0x193: {  	v22 =	vld.idx.msk [tilespmem:v22+s16+$0x0], $0xffff  }
0x194: {  	v17 =	vadd.f32 v26, v17;
	v20 =	vld.idx.msk [tilespmem:v20+s16+$0x0], $0xffff  }
0x195: {  	v23 =	vld.idx.msk [tilespmem:v23+s2+$0x0], $0xffff  }
0x196: {  	v17 =	vadd.f32 v19, v17;
	v19 =	vld.idx.msk [tilespmem:v24+s2+$0x0], $0xffff  }
0x197: {  	v18 =	vshll.u32 v18, $0x10;
	v16 =	vshll.u32 v16, $0x10;
	v27 =	vld.idx.msk [tilespmem:v27+s2+$0x0], $0xffff  }
0x198: {  	v26 =	vadd.f32 v30, v35;
	v30 =	vshll.u32 v21, $0x10;
	v24 =	vadd.f32 v34, v33  }
0x199: {  	v31 =	vadd.f32 v32, v31;
	v21 =	vand.u32 $0xFFFF0000, v21;
	v17 =	vadd.f32 v18, v17;
	v18 =	vld.idx.msk [tilespmem:v25+s2+$0x0], $0xffff  }
0x19a: {  	v25 =	vadd.f32 v30, v26;
	v26 =	vld.idx.msk [tilespmem:v28+s2+$0x0], $0xffff;
	v21 =	vadd.f32 v21, v24;
	v24 =	vshll.u32 v23, $0x10  }
0x19b: {  	v23 =	vand.u32 $0xFFFF0000, v23;
	v16 =	vadd.f32 v16, v17;
	v28 =	vand.u32 $0xFFFF0000, v19  }
0x19c: {  	v19 =	vshll.u32 v19, $0x10;
	v17 =	vld.idx.msk [tilespmem:v29+s2+$0x0], $0xffff;
	v28 =	vadd.f32 v28, v31;
	v29 =	vand.u32 $0xFFFF0000, v27  }
0x19d: {  	v22 =	vld.idx.msk [tilespmem:v22+s2+$0x0], $0xffff;
	v27 =	vshll.u32 v27, $0x10;
	v16 =	vadd.f32 v19, v16;
	v21 =	vadd.f32 v29, v21  }
0x19e: {  	v20 =	vld.idx.msk [tilespmem:v20+s2+$0x0], $0xffff;
	v29 =	vand.u32 $0xFFFF0000, v18;
	v18 =	vshll.u32 v18, $0x10;
	v25 =	vadd.f32 v27, v25  }
0x19f: {  	v27 =	vand.u32 $0xFFFF0000, v26;
	v23 =	vadd.f32 v23, v28;
	v16 =	vadd.f32 v24, v16  }
0x1a0: {  	v21 =	vadd.f32 v29, v21;
	v18 =	vadd.f32 v18, v25;
	v25 =	vshll.u32 v26, $0x10  }
0x1a1: {  	v19 =	vadd.f32 v27, v23;
	v16 =	vadd.f32 v25, v16;
	v28 =	vand.u32 $0xFFFF0000, v17  }
0x1a2: {  	v17 =	vshll.u32 v17, $0x10;
	v23 =	vand.u32 $0xFFFF0000, v22;
	v21 =	vadd.f32 v28, v21  }
0x1a3: {  	s23 =	simm.s32 $0x0;
	v26 =	vshll.u32 v20, $0x10;
	v17 =	vadd.f32 v17, v18;
	v18 =	vadd.f32 v23, v19  }
0x1a4: {  	v19 =	vand.u32 $0xFFFF0000, v20;
	v20 =	vor.u32 $0xA0, v3;
	v23 =	vmov s23  }
0x1a5: {  	v19 =	vadd.f32 v19, v21;
	v21 =	vshll.u32 v22, $0x10;
	v22 =	vor.u32 $0xA1, v3  }
0x1a6: {  	v17 =	vadd.f32 v26, v17;
	v16 =	vadd.f32 v21, v16;
	v21 =	vshrl.u32 v23, $0x3  }
0x1a7: {  	v18 =	vadd.f32 v19, v18;
	v19 =	vshll.u32 v21, $0x3  }
0x1a8: {  	v16 =	vadd.f32 v17, v16;
	v17 =	vbroadcast v19, $0x0  }
0x1a9: {  	[tilespmem:v20+s19+$0x0] =	vst.idx.msk $0xffff, v18  }
0x1aa: {  	[tilespmem:v22+s19+$0x0] =	vst.idx.msk $0xffff, v16;
	v16 =	vadd.s32 v2, v17  }
0x1ab: {  	v18 =	vadd.s32 v0, v17;
	[tilespmem:s16], [sflag:$0x3] =	stream.linear.gather [hbm4b:s11+s23], $0xC80, $0x38;
	[tilespmem:$0x1C300] =	vst v63  }
0x1ac: {  	v19 =	vadd.s32 v1, v17;
	_ =	swait.ge [sflag:s18], $0xC80  }
0x1ad: {  	v20 =	vadd.s32 v4, v17;
	[sflag:s18] =	ssyncset.done $0x0  }
0x1ae: {  	v21 =	vadd.s32 v5, v17;
	[sflag:s18] =	ssyncadd.s32 $0xFFFFF380  }
0x1af: {  	v22 =	vadd.s32 v6, v17;
	v16 =	vld.idx.msk [tilespmem:v16+s15+$0x0], $0xffff  }
0x1b0: {  	v23 =	vadd.s32 v7, v17;
	v18 =	vld.idx.msk [tilespmem:v18+s15+$0x0], $0xffff  }
0x1b1: {  	v17 =	vadd.s32 v8, v17;
	v19 =	vld.idx.msk [tilespmem:v19+s15+$0x0], $0xffff  }
0x1b2: {  	v20 =	vld.idx.msk [tilespmem:v20+s15+$0x0], $0xffff  }
0x1b3: {  	v21 =	vld.idx.msk [tilespmem:v21+s15+$0x0], $0xffff  }
0x1b4: {  	s23 =	simm.s32 $0x8;
	v24 =	vld.idx.msk [tilespmem:v22+s15+$0x0], $0xffff  }
0x1b5: {  	v22 =	vmov s23;
	v23 =	vld.idx.msk [tilespmem:v23+s15+$0x0], $0xffff  }
0x1b6: {  	v25 =	vld.idx.msk [tilespmem:v17+s15+$0x0], $0xffff;
	v22 =	vshrl.u32 v22, $0x3  }
0x1b7: {  	v17 =	vshll.u32 v22, $0x3;
	v27 =	vld.idx.msk [tilespmem:v16+s2+$0x0], $0xffff  }
0x1b8: {  	v16 =	vbroadcast v17, $0x0;
	v26 =	vld.idx.msk [tilespmem:v18+s2+$0x0], $0xffff  }
0x1b9: {  	v28 =	vld.idx.msk [tilespmem:v19+s2+$0x0], $0xffff  }
0x1ba: {  	v31 =	vld.idx.msk [tilespmem:v20+s2+$0x0], $0xffff;
	v30 =	vadd.s32 v2, v16  }
0x1bb: {  	v17 =	vimm.f32 $0.0e+00;
	v18 =	vld.idx.msk [tilespmem:v21+s2+$0x0], $0xffff;
	v59 =	vadd.s32 v0, v16;
	v60 =	vadd.s32 v1, v16  }
0x1bc: {  	v36 =	vld.idx.msk [tilespmem:v24+s2+$0x0], $0xffff;
	v61 =	vadd.s32 v4, v16;
	v62 =	vadd.s32 v5, v16;
	v22 =	vadd.s32 v7, v16  }
0x1bd: {  	v20 =	vadd.s32 v8, v16;
	v29 =	vadd.s32 v6, v16;
	v16 =	vld.idx.msk [tilespmem:v23+s2+$0x0], $0xffff;
	v19 =	vshll.u32 v27, $0x10  }
0x1be: {  	v21 =	vld.idx.msk [tilespmem:v25+s2+$0x0], $0xffff;
	v24 =	vand.u32 $0xFFFF0000, v26;
	v26 =	vshll.u32 v26, $0x10;
	v37 =	vand.u32 $0xFFFF0000, v27  }
0x1bf: {  	v27 =	vand.u32 $0xFFFF0000, v28;
	v28 =	vshll.u32 v28, $0x10;
	v25 =	vadd.f32 v24, v17;
	v23 =	vld.idx.msk [tilespmem:v30+s15+$0x0], $0xffff  }
0x1c0: {  	v63 =	vand.u32 $0xFFFF0000, v31;
	v31 =	vshll.u32 v31, $0x10;
	v24 =	vld.idx.msk [tilespmem:v59+s15+$0x0], $0xffff;
	v30 =	vadd.f32 v27, v17  }
0x1c1: {  	v39 =	vand.u32 $0xFFFF0000, v18;
	v38 =	vadd.f32 v28, v17;
	v27 =	vld.idx.msk [tilespmem:v60+s15+$0x0], $0xffff;
	v37 =	vadd.f32 v37, v25  }
0x1c2: {  	v34 =	vand.u32 $0xFFFF0000, v36;
	v32 =	vand.u32 $0xFFFF0000, v16;
	v25 =	vld.idx.msk [tilespmem:v61+s15+$0x0], $0xffff;
	v33 =	vadd.f32 v63, v30  }
0x1c3: {  	s24 =	simm.s32 $0x4;
	v28 =	vld.idx.msk [tilespmem:v62+s15+$0x0], $0xffff;
	v35 =	vadd.f32 v31, v38;
	v30 =	vshll.u32 v36, $0x10;
	v31 =	vadd.f32 v39, v37  }
.LBB2_14:
0x1c4: {  	s24 =	sadd.s32 $0x4, s24;
	v29 =	vld.idx.msk [tilespmem:v29+s15+$0x0], $0xffff;
	s23 =	sadd.s32 $0x8, s23;
	v18 =	vshll.u32 v18, $0x10;
	v33 =	vadd.f32 v34, v33;
	v34 =	vshll.u32 v21, $0x10  }
0x1c5: {  	v17 =	vadd.f32 v26, v17;
	v36 =	vmov s23;
	p1 =	slt.u32 s24, $0x60;
	v37 =	vld.idx.msk [tilespmem:v22+s15+$0x0], $0xffff;
	v22 =	vadd.f32 v30, v35  }
0x1c6: {  	v31 =	vadd.f32 v32, v31;
	v26 =	vshrl.u32 v36, $0x3;
	v30 =	vld.idx.msk [tilespmem:v20+s15+$0x0], $0xffff;
	v20 =	vand.u32 $0xFFFF0000, v21  }
0x1c7: {  	v17 =	vadd.f32 v19, v17;
	v21 =	vshll.u32 v26, $0x3;
	v23 =	vld.idx.msk [tilespmem:v23+s2+$0x0], $0xffff;
	v32 =	vadd.f32 v34, v22  }
0x1c8: {  	v33 =	vadd.f32 v20, v33;
	v19 =	vbroadcast v21, $0x0;
	v21 =	vld.idx.msk [tilespmem:v24+s2+$0x0], $0xffff  }
0x1c9: {  	v16 =	vshll.u32 v16, $0x10;
	v17 =	vadd.f32 v18, v17;
	v24 =	vld.idx.msk [tilespmem:v27+s2+$0x0], $0xffff  }
0x1ca: {  	v27 =	vadd.s32 v0, v19;
	v34 =	vadd.s32 v1, v19;
	v35 =	vadd.s32 v2, v19;
	v25 =	vld.idx.msk [tilespmem:v25+s2+$0x0], $0xffff  }
0x1cb: {  	v36 =	vadd.s32 v4, v19;
	v38 =	vadd.s32 v5, v19;
	v17 =	vadd.f32 v16, v17;
	v18 =	vld.idx.msk [tilespmem:v28+s2+$0x0], $0xffff  }
0x1cc: {  	v22 =	vadd.s32 v7, v19;
	v20 =	vadd.s32 v8, v19;
	v28 =	vld.idx.msk [tilespmem:v29+s2+$0x0], $0xffff  }
0x1cd: {  	v29 =	vadd.s32 v6, v19;
	v19 =	vshll.u32 v23, $0x10;
	v16 =	vld.idx.msk [tilespmem:v37+s2+$0x0], $0xffff  }
0x1ce: {  	v39 =	vand.u32 $0xFFFF0000, v23;
	v37 =	vand.u32 $0xFFFF0000, v21;
	v26 =	vshll.u32 v21, $0x10;
	v21 =	vld.idx.msk [tilespmem:v30+s2+$0x0], $0xffff  }
.Ltmp6:
0x1cf: {  	v30 =	vadd.f32 v37, v31;
	v31 =	vand.u32 $0xFFFF0000, v24;
	v23 =	vld.idx.msk [tilespmem:v35+s15+$0x0], $0xffff;
	v35 =	vshll.u32 v24, $0x10;
	(pc) =	sbr.rel @p1 .LBB2_14-.Ltmp6, $4  }
0x1d0: {  	v31 =	vadd.f32 v31, v33;
	v33 =	vand.u32 $0xFFFF0000, v25;
	v37 =	vshll.u32 v25, $0x10;
	v24 =	vld.idx.msk [tilespmem:v27+s15+$0x0], $0xffff  }
0x1d1: {  	v32 =	vadd.f32 v35, v32;
	v39 =	vadd.f32 v39, v30;
	v40 =	vand.u32 $0xFFFF0000, v18;
	v27 =	vld.idx.msk [tilespmem:v34+s15+$0x0], $0xffff  }
0x1d2: {  	v33 =	vadd.f32 v33, v31;
	v34 =	vand.u32 $0xFFFF0000, v28;
	v30 =	vshll.u32 v28, $0x10;
	v25 =	vld.idx.msk [tilespmem:v36+s15+$0x0], $0xffff  }
0x1d3: {  	v35 =	vadd.f32 v37, v32;
	v31 =	vadd.f32 v40, v39;
	v32 =	vand.u32 $0xFFFF0000, v16;
	v28 =	vld.idx.msk [tilespmem:v38+s15+$0x0], $0xffff  }
0x1d4: {  	_ =	sdelay $0x3  }
0x1d5: {  	v29 =	vld.idx.msk [tilespmem:v29+s15+$0x0], $0xffff  }
0x1d6: {  	v22 =	vld.idx.msk [tilespmem:v22+s15+$0x0], $0xffff  }
0x1d7: {  	v17 =	vadd.f32 v26, v17;
	v20 =	vld.idx.msk [tilespmem:v20+s15+$0x0], $0xffff  }
0x1d8: {  	v23 =	vld.idx.msk [tilespmem:v23+s2+$0x0], $0xffff  }
0x1d9: {  	v17 =	vadd.f32 v19, v17;
	v19 =	vld.idx.msk [tilespmem:v24+s2+$0x0], $0xffff  }
0x1da: {  	v18 =	vshll.u32 v18, $0x10;
	v16 =	vshll.u32 v16, $0x10;
	v26 =	vadd.f32 v30, v35;
	v27 =	vld.idx.msk [tilespmem:v27+s2+$0x0], $0xffff  }
0x1db: {  	v30 =	vshll.u32 v21, $0x10;
	v24 =	vadd.f32 v34, v33;
	v17 =	vadd.f32 v18, v17;
	v18 =	vld.idx.msk [tilespmem:v25+s2+$0x0], $0xffff  }
0x1dc: {  	v31 =	vadd.f32 v32, v31;
	v21 =	vand.u32 $0xFFFF0000, v21;
	v25 =	vadd.f32 v30, v26;
	v26 =	vld.idx.msk [tilespmem:v28+s2+$0x0], $0xffff  }
0x1dd: {  	v21 =	vadd.f32 v21, v24;
	v24 =	vshll.u32 v23, $0x10;
	v23 =	vand.u32 $0xFFFF0000, v23  }
0x1de: {  	v16 =	vadd.f32 v16, v17;
	v28 =	vand.u32 $0xFFFF0000, v19;
	v19 =	vshll.u32 v19, $0x10  }
0x1df: {  	v17 =	vld.idx.msk [tilespmem:v29+s2+$0x0], $0xffff;
	v28 =	vadd.f32 v28, v31;
	v29 =	vand.u32 $0xFFFF0000, v27;
	v27 =	vshll.u32 v27, $0x10  }
0x1e0: {  	v22 =	vld.idx.msk [tilespmem:v22+s2+$0x0], $0xffff;
	v16 =	vadd.f32 v19, v16;
	v21 =	vadd.f32 v29, v21;
	v29 =	vand.u32 $0xFFFF0000, v18  }
0x1e1: {  	v20 =	vld.idx.msk [tilespmem:v20+s2+$0x0], $0xffff;
	v25 =	vadd.f32 v27, v25;
	v18 =	vshll.u32 v18, $0x10;
	v27 =	vand.u32 $0xFFFF0000, v26  }
0x1e2: {  	v23 =	vadd.f32 v23, v28;
	v16 =	vadd.f32 v24, v16;
	v24 =	vor.u32 $0xC1, v3  }
0x1e3: {  	v21 =	vadd.f32 v29, v21;
	v18 =	vadd.f32 v18, v25;
	v25 =	vshll.u32 v26, $0x10  }
0x1e4: {  	v23 =	vadd.f32 v27, v23;
	v16 =	vadd.f32 v25, v16;
	v28 =	vand.u32 $0xFFFF0000, v17  }
0x1e5: {  	v17 =	vshll.u32 v17, $0x10;
	v19 =	vand.u32 $0xFFFF0000, v22;
	v21 =	vadd.f32 v28, v21  }
0x1e6: {  	s23 =	simm.s32 $0x0;
	v17 =	vadd.f32 v17, v18;
	v18 =	vand.u32 $0xFFFF0000, v20;
	v19 =	vadd.f32 v19, v23  }
0x1e7: {  	v23 =	vmov s23;
	v18 =	vadd.f32 v18, v21;
	v21 =	vor.u32 $0xC0, v3  }
0x1e8: {  	v22 =	vshll.u32 v22, $0x10;
	v20 =	vshll.u32 v20, $0x10;
	v23 =	vshrl.u32 v23, $0x3  }
0x1e9: {  	v16 =	vadd.f32 v22, v16;
	v17 =	vadd.f32 v20, v17;
	v20 =	vshll.u32 v23, $0x3  }
0x1ea: {  	v18 =	vadd.f32 v18, v19;
	v19 =	vbroadcast v20, $0x0  }
0x1eb: {  	v16 =	vadd.f32 v17, v16  }
0x1ec: {  	v17 =	vadd.s32 v2, v19;
	[tilespmem:v21+s19+$0x0] =	vst.idx.msk $0xffff, v18  }
0x1ed: {  	v18 =	vadd.s32 v1, v19;
	[tilespmem:v24+s19+$0x0] =	vst.idx.msk $0xffff, v16  }
0x1ee: {  	v16 =	vadd.s32 v0, v19;
	_ =	swait.ge [sflag:s20], $0xC80  }
0x1ef: {  	v20 =	vadd.s32 v4, v19;
	[sflag:s20] =	ssyncset.done $0x0  }
0x1f0: {  	v21 =	vadd.s32 v5, v19;
	[sflag:s20] =	ssyncadd.s32 $0xFFFFF380  }
0x1f1: {  	v22 =	vadd.s32 v6, v19;
	v17 =	vld.idx.msk [tilespmem:v17+s16+$0x0], $0xffff  }
0x1f2: {  	v23 =	vadd.s32 v7, v19;
	v18 =	vld.idx.msk [tilespmem:v18+s16+$0x0], $0xffff  }
0x1f3: {  	v19 =	vadd.s32 v8, v19;
	v16 =	vld.idx.msk [tilespmem:v16+s16+$0x0], $0xffff  }
0x1f4: {  	v20 =	vld.idx.msk [tilespmem:v20+s16+$0x0], $0xffff  }
0x1f5: {  	s23 =	simm.s32 $0x8;
	v21 =	vld.idx.msk [tilespmem:v21+s16+$0x0], $0xffff  }
0x1f6: {  	v24 =	vmov s23;
	v22 =	vld.idx.msk [tilespmem:v22+s16+$0x0], $0xffff  }
0x1f7: {  	v24 =	vshrl.u32 v24, $0x3;
	v23 =	vld.idx.msk [tilespmem:v23+s16+$0x0], $0xffff  }
0x1f8: {  	v26 =	vld.idx.msk [tilespmem:v19+s16+$0x0], $0xffff;
	v19 =	vshll.u32 v24, $0x3  }
0x1f9: {  	v25 =	vbroadcast v19, $0x0;
	v24 =	vld.idx.msk [tilespmem:v17+s2+$0x0], $0xffff  }
0x1fa: {  	v29 =	vld.idx.msk [tilespmem:v18+s2+$0x0], $0xffff  }
0x1fb: {  	v30 =	vadd.s32 v2, v25;
	v27 =	vld.idx.msk [tilespmem:v16+s2+$0x0], $0xffff  }
0x1fc: {  	v31 =	vld.idx.msk [tilespmem:v20+s2+$0x0], $0xffff  }
0x1fd: {  	v57 =	vadd.s32 v0, v25;
	v58 =	vadd.s32 v1, v25;
	v59 =	vadd.s32 v4, v25;
	v19 =	vld.idx.msk [tilespmem:v21+s2+$0x0], $0xffff  }
0x1fe: {  	v36 =	vadd.s32 v5, v25;
	v28 =	vadd.s32 v6, v25;
	v17 =	vimm.f32 $0.0e+00;
	v37 =	vld.idx.msk [tilespmem:v22+s2+$0x0], $0xffff  }
0x1ff: {  	v21 =	vadd.s32 v7, v25;
	v20 =	vadd.s32 v8, v25;
	v16 =	vld.idx.msk [tilespmem:v23+s2+$0x0], $0xffff;
	v18 =	vshll.u32 v24, $0x10  }
0x200: {  	v23 =	vld.idx.msk [tilespmem:v30+s16+$0x0], $0xffff;
	v24 =	vand.u32 $0xFFFF0000, v24;
	v30 =	vand.u32 $0xFFFF0000, v29;
	v60 =	vand.u32 $0xFFFF0000, v27  }
0x201: {  	v22 =	vld.idx.msk [tilespmem:v26+s2+$0x0], $0xffff;
	v61 =	vshll.u32 v29, $0x10;
	v25 =	vshll.u32 v27, $0x10;
	v27 =	vadd.f32 v60, v17  }
0x202: {  	v26 =	vld.idx.msk [tilespmem:v57+s16+$0x0], $0xffff;
	v62 =	vand.u32 $0xFFFF0000, v31;
	v31 =	vshll.u32 v31, $0x10;
	v30 =	vadd.f32 v30, v17  }
0x203: {  	v29 =	vld.idx.msk [tilespmem:v58+s16+$0x0], $0xffff;
	v39 =	vand.u32 $0xFFFF0000, v19;
	v63 =	vadd.f32 v61, v17;
	v38 =	vadd.f32 v24, v27  }
0x204: {  	v35 =	vand.u32 $0xFFFF0000, v37;
	v33 =	vand.u32 $0xFFFF0000, v16;
	v32 =	vadd.f32 v62, v30;
	v24 =	vld.idx.msk [tilespmem:v59+s16+$0x0], $0xffff  }
0x205: {  	s24 =	simm.s32 $0x4;
	v30 =	vshll.u32 v37, $0x10;
	v34 =	vadd.f32 v31, v63;
	v27 =	vld.idx.msk [tilespmem:v36+s16+$0x0], $0xffff;
	v31 =	vadd.f32 v39, v38  }
.LBB2_16:
0x206: {  	s24 =	sadd.s32 $0x4, s24;
	v28 =	vld.idx.msk [tilespmem:v28+s16+$0x0], $0xffff;
	s23 =	sadd.s32 $0x8, s23;
	v19 =	vshll.u32 v19, $0x10;
	v32 =	vadd.f32 v35, v32;
	v35 =	vshll.u32 v22, $0x10  }
0x207: {  	v17 =	vadd.f32 v25, v17;
	v36 =	vmov s23;
	p1 =	slt.u32 s24, $0x60;
	v37 =	vld.idx.msk [tilespmem:v21+s16+$0x0], $0xffff;
	v21 =	vadd.f32 v30, v34  }
0x208: {  	v31 =	vadd.f32 v33, v31;
	v25 =	vshrl.u32 v36, $0x3;
	v30 =	vld.idx.msk [tilespmem:v20+s16+$0x0], $0xffff;
	v20 =	vand.u32 $0xFFFF0000, v22  }
0x209: {  	v17 =	vadd.f32 v18, v17;
	v22 =	vshll.u32 v25, $0x3;
	v23 =	vld.idx.msk [tilespmem:v23+s2+$0x0], $0xffff;
	v33 =	vadd.f32 v35, v21  }
0x20a: {  	v32 =	vadd.f32 v20, v32;
	v18 =	vbroadcast v22, $0x0;
	v22 =	vld.idx.msk [tilespmem:v26+s2+$0x0], $0xffff  }
0x20b: {  	v16 =	vshll.u32 v16, $0x10;
	v17 =	vadd.f32 v19, v17;
	v26 =	vld.idx.msk [tilespmem:v29+s2+$0x0], $0xffff  }
0x20c: {  	v29 =	vadd.s32 v0, v18;
	v34 =	vadd.s32 v1, v18;
	v35 =	vadd.s32 v2, v18;
	v24 =	vld.idx.msk [tilespmem:v24+s2+$0x0], $0xffff  }
0x20d: {  	v36 =	vadd.s32 v4, v18;
	v38 =	vadd.s32 v5, v18;
	v17 =	vadd.f32 v16, v17;
	v19 =	vld.idx.msk [tilespmem:v27+s2+$0x0], $0xffff  }
0x20e: {  	v21 =	vadd.s32 v7, v18;
	v20 =	vadd.s32 v8, v18;
	v27 =	vld.idx.msk [tilespmem:v28+s2+$0x0], $0xffff  }
0x20f: {  	v28 =	vadd.s32 v6, v18;
	v18 =	vshll.u32 v23, $0x10;
	v16 =	vld.idx.msk [tilespmem:v37+s2+$0x0], $0xffff  }
0x210: {  	v39 =	vand.u32 $0xFFFF0000, v23;
	v37 =	vand.u32 $0xFFFF0000, v22;
	v25 =	vshll.u32 v22, $0x10;
	v22 =	vld.idx.msk [tilespmem:v30+s2+$0x0], $0xffff  }
.Ltmp7:
0x211: {  	v30 =	vadd.f32 v37, v31;
	v31 =	vand.u32 $0xFFFF0000, v26;
	v23 =	vld.idx.msk [tilespmem:v35+s16+$0x0], $0xffff;
	v35 =	vshll.u32 v26, $0x10;
	(pc) =	sbr.rel @p1 .LBB2_16-.Ltmp7, $4  }
0x212: {  	v31 =	vadd.f32 v31, v32;
	v32 =	vand.u32 $0xFFFF0000, v24;
	v37 =	vshll.u32 v24, $0x10;
	v26 =	vld.idx.msk [tilespmem:v29+s16+$0x0], $0xffff  }
0x213: {  	v33 =	vadd.f32 v35, v33;
	v39 =	vadd.f32 v39, v30;
	v40 =	vand.u32 $0xFFFF0000, v19;
	v29 =	vld.idx.msk [tilespmem:v34+s16+$0x0], $0xffff  }
0x214: {  	v32 =	vadd.f32 v32, v31;
	v35 =	vand.u32 $0xFFFF0000, v27;
	v30 =	vshll.u32 v27, $0x10;
	v24 =	vld.idx.msk [tilespmem:v36+s16+$0x0], $0xffff  }
0x215: {  	v34 =	vadd.f32 v37, v33;
	v31 =	vadd.f32 v40, v39;
	v33 =	vand.u32 $0xFFFF0000, v16;
	v27 =	vld.idx.msk [tilespmem:v38+s16+$0x0], $0xffff  }
0x216: {  	_ =	sdelay $0x3  }
0x217: {  	v28 =	vld.idx.msk [tilespmem:v28+s16+$0x0], $0xffff  }
0x218: {  	v21 =	vld.idx.msk [tilespmem:v21+s16+$0x0], $0xffff  }
0x219: {  	v20 =	vld.idx.msk [tilespmem:v20+s16+$0x0], $0xffff  }
0x21a: {  	v17 =	vadd.f32 v25, v17;
	v23 =	vld.idx.msk [tilespmem:v23+s2+$0x0], $0xffff  }
0x21b: {  	v19 =	vshll.u32 v19, $0x10;
	v44 =	vadd.f32 v35, v32;
	v42 =	vld.idx.msk [tilespmem:v26+s2+$0x0], $0xffff  }
0x21c: {  	v45 =	vshll.u32 v22, $0x10;
	v46 =	vand.u32 $0xFFFF0000, v22;
	v17 =	vadd.f32 v18, v17;
	v43 =	vld.idx.msk [tilespmem:v29+s2+$0x0], $0xffff  }
0x21d: {  	v16 =	vshll.u32 v16, $0x10;
	v62 =	vor.u32 $0xE0, v3;
	v30 =	vadd.f32 v30, v34  }
0x21e: {  	v63 =	vor.u32 $0xE1, v3;
	v31 =	vadd.f32 v33, v31;
	v47 =	vld.idx.msk [tilespmem:v24+s2+$0x0], $0xffff;
	v17 =	vadd.f32 v19, v17  }
0x21f: {  	v22 =	vadd.f32 v46, v44;
	v48 =	vadd.f32 v45, v30;
	v49 =	vld.idx.msk [tilespmem:v27+s2+$0x0], $0xffff;
	v50 =	vshll.u32 v23, $0x10  }
0x220: {  	v23 =	vand.u32 $0xFFFF0000, v23;
	v16 =	vadd.f32 v16, v17;
	v51 =	vand.u32 $0xFFFF0000, v42  }
0x221: {  	v25 =	vshll.u32 v42, $0x10;
	v52 =	vand.u32 $0xFFFF0000, v43;
	v17 =	vld.idx.msk [tilespmem:v28+s2+$0x0], $0xffff;
	v28 =	vadd.f32 v51, v31  }
0x222: {  	v18 =	vshll.u32 v43, $0x10;
	v21 =	vld.idx.msk [tilespmem:v21+s2+$0x0], $0xffff;
	v22 =	vadd.f32 v52, v22;
	v16 =	vadd.f32 v25, v16  }
0x223: {  	v20 =	vld.idx.msk [tilespmem:v20+s2+$0x0], $0xffff;
	v53 =	vand.u32 $0xFFFF0000, v47;
	v19 =	vshll.u32 v47, $0x10;
	v18 =	vadd.f32 v18, v48  }
0x224: {  	v54 =	vand.u32 $0xFFFF0000, v49;
	v23 =	vadd.f32 v23, v28;
	v16 =	vadd.f32 v50, v16  }
0x225: {  	v58 =	vshll.u32 v49, $0x10;
	v22 =	vadd.f32 v53, v22;
	v18 =	vadd.f32 v19, v18  }
0x226: {  	v56 =	vadd.f32 v54, v23;
	v16 =	vadd.f32 v58, v16;
	v55 =	vand.u32 $0xFFFF0000, v17  }
0x227: {  	v17 =	vshll.u32 v17, $0x10;
	v57 =	vand.u32 $0xFFFF0000, v21;
	v22 =	vadd.f32 v55, v22  }
0x228: {  	v59 =	vshll.u32 v20, $0x10;
	v61 =	vand.u32 $0xFFFF0000, v20;
	v17 =	vadd.f32 v17, v18  }
0x229: {  	v21 =	vshll.u32 v21, $0x10;
	v60 =	vadd.f32 v57, v56;
	v19 =	vadd.f32 v61, v22  }
0x22a: {  	v16 =	vadd.f32 v21, v16;
	v17 =	vadd.f32 v59, v17  }
0x22b: {  	v18 =	vadd.f32 v19, v60  }
0x22c: {  	s22 =	sadd.s32 $0x1, s22;
	v16 =	vadd.f32 v17, v16  }
0x22d: {  	p1 =	sne.s32 s22, s13;
	[tilespmem:v62+s19+$0x0] =	vst.idx.msk $0xffff, v18  }
.Ltmp8:
0x22e: {  	[tilespmem:v63+s19+$0x0] =	vst.idx.msk $0xffff, v16;
	(pc) =	sbr.rel @p1 .LBB2_1-.Ltmp8, $4  }
0x22f: {  	[hbm4b:s12+s2] =	stream.linear.scatter [tilespmem:s19], [sflag:$0x4], $0x100, $0x38;
	[tilespmem:$0x1C300] =	vst v63  }
0x230: {  	_ =	swait.ge [sflag:s21], $0x100  }
0x231: {  	[sflag:s21] =	ssyncset.done $0x0  }
0x232: {  	[sflag:s21] =	ssyncadd.s32 $0xFFFFFF00  }
0x233: {  	_ =	sfence.sel $0x180000  }
0x234: {  	[bflag:$0x0] =	sbarrier.arrive $0xFFFF  }
0x235: {  	_ =	strace $0x90000047  }
0x236: {  	s0 =	sadd.s32 @!p0 $0x100000, s0;
	[bflag:$0x2] =	sbarrier.arrive $0xFFFF  }
0x237: {  	[sflag:s0] =	ssyncadd.tile.s32 @!p0 $0x1;
	_ =	shalt  }
.Lfunc_end2:
_tile_overlayer_lowered:
.L_overlay_start_2:
0x238: {  	(tag) =	ssettag $0x2  }
0x239: {  	s0 =	rddreg [dreg:$0x0];
	s2 =	stileid.u32  }
0x23a: {  	s1 =	rddreg [dreg:$0x1];
	p0 =	sne.s32 s2, $0x0  }
0x23b: {  	s3 =	rddreg [dreg:$0x2];
	[bflag:$0x3] =	sbarrier.arrive $0xFFFF;
	s2 =	simm.s32 @!p0 $0x1C04  }
0x23c: {  	[timem:s3], [sflag:s2] =	dma.local @!p0 [hbm:s0], s1  }
0x23d: {  	s0 =	simm.s32 @!p0 $0x4  }
0x23e: {  	_ =	swait.ge @!p0 [sflag:s0], s1  }
0x23f: {  	s1 =	ssub.s32 @!p0 $0x0, s1;
	[sflag:s0] =	ssyncset.done @!p0 $0x0  }
0x240: {  	[sflag:s0] =	ssyncadd.s32 @!p0 s1  }
0x241: {  	[bflag:$0x3] =	sbarrier.arrive $0xFFFF  }
0x242: {  	_ =	shalt  }

</sc_bundles>
